<compile_context>
chip_gen: v7x
topology: tpu7x:2x2x1
jax: 0.10.2.dev20260603
libtpu: 0.0.44.dev20260713+nightly
codegen_flags: <defaults>
</compile_context>

<pallas_src>
import functools

import jax
import jax.numpy as jnp
from jax import lax
from jax.experimental import pallas as pl
from jax.experimental.pallas import tpu as pltpu
from jax.experimental.pallas import tpu_sc as plsc

_N_NODE = 100000
_N_CAT = 1000
_EMD = 64
_LEVELS = 8
_B = 16384

_NC = 2
_NS = 16
_NW = _NC * _NS
_BPW = _B // _NW
_GCHUNK = 128
_L = 16
_BTAB = 1024


_RP_COLS = 512


def _make_repack(n_rows, cols):
    grid = (n_rows + cols - 1) // cols
    half = cols // 2

    def _repack_body(nt_ref, out_ref):
        tr = jnp.transpose(nt_ref[...])
        out_ref[...] = jnp.concatenate([tr[:half], tr[half:]], axis=1)

    return pl.pallas_call(
        _repack_body,
        grid=(grid,),
        in_specs=[pl.BlockSpec((_EMD, cols), lambda i: (0, i))],
        out_specs=pl.BlockSpec((half, 2 * _EMD), lambda i: (i, 0)),
        out_shape=jax.ShapeDtypeStruct((grid * half, 2 * _EMD), jnp.float32),
    )


_repack_node = _make_repack(_N_NODE, _RP_COLS)
_repack_cat = _make_repack(_N_CAT, _N_CAT)


_HROWS = _BPW // 2


def _sc_gather_body(nid_hbm, cid_hbm, nwide_hbm, cwide_hbm, btab_hbm,
                    ne_out, ce_out, bg_out,
                    nidx_v, cidx_v, nidx2_v, cidx2_v,
                    nrows_v, crows_v, bvals_v,
                    nsem, csem, bsem):
    wid = lax.axis_index("s") * _NC + lax.axis_index("c")
    base = wid * _BPW
    pltpu.sync_copy(nid_hbm.at[pl.ds(base, _BPW)], nidx_v)
    pltpu.sync_copy(cid_hbm.at[pl.ds(base, _BPW)], cidx_v)

    def _shift_step(i, carry):
        sl = pl.ds(i * _L, _L)
        v = nidx_v[sl]
        nidx2_v[sl] = lax.shift_left(lax.shift_right_logical(v, 9), 8) + (v & 255)
        c = cidx_v[sl]
        cidx2_v[sl] = jnp.where(c >= _N_CAT // 2, c - _N_CAT // 2, c)
        return carry

    lax.fori_loop(0, _BPW // _L, _shift_step, 0)

    bcopies = [pltpu.async_copy(
        btab_hbm.at[cidx_v.at[pl.ds(j * _GCHUNK, _GCHUNK)]],
        bvals_v.at[pl.ds(j * _GCHUNK, _GCHUNK)], bsem)
        for j in range(_BPW // _GCHUNK)]

    for r in range(2):
        copies = []
        for j in range(_HROWS // _GCHUNK):
            sl = pl.ds(r * _HROWS + j * _GCHUNK, _GCHUNK)
            dsl = pl.ds(j * _GCHUNK, _GCHUNK)
            copies.append(pltpu.async_copy(
                nwide_hbm.at[nidx2_v.at[sl]], nrows_v.at[dsl], nsem))
            copies.append(pltpu.async_copy(
                cwide_hbm.at[cidx2_v.at[sl]], crows_v.at[dsl], csem))
        for cp in copies:
            cp.wait()
        pltpu.sync_copy(nrows_v, ne_out.at[pl.ds(base + r * _HROWS, _HROWS)])
        pltpu.sync_copy(crows_v, ce_out.at[pl.ds(base + r * _HROWS, _HROWS)])
    for cp in bcopies:
        cp.wait()
    pltpu.sync_copy(bvals_v, bg_out.at[pl.ds(base, _BPW)])


_sc_gather = functools.partial(
    pl.kernel,
    out_type=[
        jax.ShapeDtypeStruct((_B, 2 * _EMD), jnp.float32),
        jax.ShapeDtypeStruct((_B, 2 * _EMD), jnp.float32),
        jax.ShapeDtypeStruct((_B,), jnp.float32),
    ],
    mesh=plsc.VectorSubcoreMesh(core_axis_name="c", subcore_axis_name="s"),
    scratch_types=[
        pltpu.VMEM((_BPW,), jnp.int32),
        pltpu.VMEM((_BPW,), jnp.int32),
        pltpu.VMEM((_BPW,), jnp.int32),
        pltpu.VMEM((_BPW,), jnp.int32),
        pltpu.VMEM((_HROWS, 2 * _EMD), jnp.float32),
        pltpu.VMEM((_HROWS, 2 * _EMD), jnp.float32),
        pltpu.VMEM((_BPW,), jnp.float32),
        pltpu.SemaphoreType.DMA,
        pltpu.SemaphoreType.DMA,
        pltpu.SemaphoreType.DMA,
    ],
    compiler_params=pltpu.CompilerParams(use_tc_tiling_on_sc=False),
)(_sc_gather_body)


_TC_CHUNK = 2048
_TC_GRID = _B // _TC_CHUNK


def _tc_body(lv_ref, lb_ref, bg_ref, nid_ref, cid_ref, t_ref,
             ne_ref, ce_ref, out_ref):
    i = pl.program_id(0)
    t = t_ref[...]
    norm = jnp.sqrt(jnp.sum(t * t, axis=1, keepdims=True))
    tn = t / jnp.maximum(norm, 1e-12)
    ne_w = ne_ref[...]
    ce_w = ce_ref[...]
    np_ = (nid_ref[...] & 256) == 256
    cp_ = cid_ref[...] >= _N_CAT // 2
    ne = jnp.where(np_, ne_w[:, _EMD:], ne_w[:, :_EMD])
    ce = jnp.where(cp_, ce_w[:, _EMD:], ce_w[:, :_EMD])
    lv = lv_ref[...]
    y = jnp.zeros(ne.shape, jnp.float32)
    for l in range(_LEVELS):
        m = (lv == l).astype(jnp.float32)
        y = y + lax.dot(ne * m, tn[l], preferred_element_type=jnp.float32)
    score = jnp.sum(y * ce, axis=1, keepdims=True) + bg_ref[...]
    lb = lb_ref[...]
    bce = jnp.maximum(score, 0.0) - score * lb + jnp.log1p(jnp.exp(-jnp.abs(score)))
    part = jnp.sum(bce)

    @pl.when(i == 0)
    def _init():
        out_ref[...] = jnp.zeros((1, 1), jnp.float32)

    out_ref[...] += jnp.full((1, 1), part, jnp.float32)

    @pl.when(i == pl.num_programs(0) - 1)
    def _finish():
        out_ref[...] *= (1.0 / _B)


_tc_loss = pl.pallas_call(
    _tc_body,
    grid=(_TC_GRID,),
    in_specs=[
        pl.BlockSpec((_TC_CHUNK, 1), lambda i: (i, 0)),
        pl.BlockSpec((_TC_CHUNK, 1), lambda i: (i, 0)),
        pl.BlockSpec((_TC_CHUNK, 1), lambda i: (i, 0)),
        pl.BlockSpec((_TC_CHUNK, 1), lambda i: (i, 0)),
        pl.BlockSpec((_TC_CHUNK, 1), lambda i: (i, 0)),
        pl.BlockSpec((_LEVELS, _EMD, _EMD), lambda i: (0, 0, 0)),
        pl.BlockSpec((_TC_CHUNK, 2 * _EMD), lambda i: (i, 0)),
        pl.BlockSpec((_TC_CHUNK, 2 * _EMD), lambda i: (i, 0)),
    ],
    out_specs=pl.BlockSpec((1, 1), lambda i: (0, 0)),
    out_shape=jax.ShapeDtypeStruct((1, 1), jnp.float32),
)


def kernel(nodes, labels, levels, node_emd, taxo_emd, taxo_bias, transforms):
    nid = nodes[:, 0].astype(jnp.int32)
    cid = nodes[:, 1].astype(jnp.int32)
    btab = jnp.zeros((_BTAB,), jnp.float32).at[:_N_CAT].set(taxo_bias)
    nwide = _repack_node(node_emd.T)
    cwide = _repack_cat(taxo_emd.T)
    ne, ce, bg = _sc_gather(nid, cid, nwide, cwide, btab)
    out = _tc_loss(levels.astype(jnp.int32).reshape(_B, 1),
                   labels.reshape(_B, 1),
                   bg.reshape(_B, 1),
                   nid.reshape(_B, 1),
                   cid.reshape(_B, 1),
                   transforms, ne, ce)
    return out.reshape(()) * 1.0

# --- scband reference (transcript-rebuilt; emitter-appended) ---
"""Pipeline reference for scband-abstract-ganclass-25915832664419 (READ-ONLY COPY).

The authoritative reference and input builder live on the scoring server;
editing this copy changes nothing except your own understanding.
"""

import jax, jax.numpy as jnp
import numpy as np

N_NODE = 100000
N_CAT = 1000
EMD = 64
MAX_LEVEL = 8
B = 16384
LAMBDA_TAXO = 1.0


def _renorm(w, max_norm=1.0):
    # mimic nn.Embedding(max_norm=1): rows with norm > max_norm are rescaled
    n = jnp.linalg.norm(w, axis=1, keepdims=True)
    return w * jnp.minimum(1.0, max_norm / (n + 1e-7))


def setup_inputs(seed: int = 0) -> dict:
    key = jax.random.key(seed)
    ks = jax.random.split(key, 7)
    nid = jax.random.randint(ks[0], (B, 1), 0, N_NODE)
    cid = jax.random.randint(ks[1], (B, 1), 0, N_CAT)
    nodes = jnp.concatenate([nid, cid], axis=1).astype(jnp.int64) if jax.config.jax_enable_x64 else jnp.concatenate([nid, cid], axis=1)
    labels = jax.random.uniform(ks[2], (B,), dtype=jnp.float32)
    levels = jax.random.randint(ks[3], (B,), 0, MAX_LEVEL)
    # learned parameters (torch renorms tables in-place on lookup; pre-renorm here)
    node_emd = _renorm(jax.random.normal(ks[4], (N_NODE, EMD), dtype=jnp.float32) * 0.1)
    taxo_emd = _renorm(jax.random.normal(ks[5], (N_CAT, EMD), dtype=jnp.float32) * 0.1)
    taxo_bias = jnp.zeros((N_CAT,), dtype=jnp.float32)
    stdv = 1.0 / np.sqrt(EMD)
    transforms = jax.random.uniform(ks[6], (MAX_LEVEL, EMD, EMD), minval=-stdv, maxval=stdv, dtype=jnp.float32)
    return {"nodes": nodes, "labels": labels, "levels": levels,
            "node_emd": node_emd, "taxo_emd": taxo_emd,
            "taxo_bias": taxo_bias, "transforms": transforms}


def reference(nodes, labels, levels, node_emd, taxo_emd, taxo_bias, transforms):
    # F.normalize(transforms, p=2, dim=1): normalize over axis 1 of [L, E, E]
    norm = jnp.linalg.norm(transforms, axis=1, keepdims=True)
    tn = transforms / jnp.maximum(norm, 1e-12)
    # node_emd(nodes[:,0]).unsqueeze(1) @ transforms[levels] -> [B,1,E] @ [B,E,E]
    ne = jnp.take(node_emd, nodes[:, 0], axis=0)          # [B, E]
    t = jnp.take(tn, levels, axis=0)                       # [B, E, E]
    ne2 = jnp.einsum('be,bef->bf', ne, t)                  # [B, E]
    ce = jnp.take(taxo_emd, nodes[:, 1], axis=0)           # [B, E]
    bias = jnp.take(taxo_bias, nodes[:, 1], axis=0)        # [B]
    score = jnp.sum(ne2 * ce, axis=1) + bias               # [B]
    # binary_cross_entropy_with_logits, reduction='mean' (numerically stable form)
    loss = jnp.mean(jnp.maximum(score, 0.0) - score * labels + jnp.log1p(jnp.exp(-jnp.abs(score))))
    return loss * LAMBDA_TAXO

if __name__ == "__main__":
    import jax
    _d = setup_inputs()
    print(jax.jit(kernel)(*tuple(_d.values())))

</pallas_src>

<mosaic_0001>
#map = affine_map<(d0, d1) -> (0)>
#map1 = affine_map<(d0, d1) -> (0, 0)>
module attributes {stable_mosaic.version = 14 : i64} {
  func.func @_sc_gather_body(%arg0: i32, %arg1: i32, %arg2: memref<16384xi32, #tpu.memory_space<hbm>>, %arg3: memref<16384xi32, #tpu.memory_space<hbm>>, %arg4: memref<50176x128xf32, #tpu.memory_space<hbm>>, %arg5: memref<500x128xf32, #tpu.memory_space<hbm>>, %arg6: memref<1024xf32, #tpu.memory_space<hbm>>, %arg7: memref<16384x128xf32, #tpu.memory_space<hbm>>, %arg8: memref<16384x128xf32, #tpu.memory_space<hbm>>, %arg9: memref<16384xf32, #tpu.memory_space<hbm>>, %arg10: memref<512xi32, #tpu.memory_space<vmem>>, %arg11: memref<512xi32, #tpu.memory_space<vmem>>, %arg12: memref<512xi32, #tpu.memory_space<vmem>>, %arg13: memref<512xi32, #tpu.memory_space<vmem>>, %arg14: memref<256x128xf32, #tpu.memory_space<vmem>>, %arg15: memref<256x128xf32, #tpu.memory_space<vmem>>, %arg16: memref<512xf32, #tpu.memory_space<vmem>>, %arg17: memref<!tpu.dma_semaphore, #tpu.memory_space<semaphore_mem>>, %arg18: memref<!tpu.dma_semaphore, #tpu.memory_space<semaphore_mem>>, %arg19: memref<!tpu.dma_semaphore, #tpu.memory_space<semaphore_mem>>) attributes {dimension_semantics = [#tpu.dimension_semantics<core_parallel>, #tpu.dimension_semantics<subcore_parallel>], iteration_bounds = array<i64: 2, 16>, scalar_prefetch = 0 : i64, scratch_operands = 10 : i64, tpu.core_type = #tpu.core_type<sc_vector_subcore>, window_params = [{transform_indices = #map}, {transform_indices = #map}, {transform_indices = #map1}, {transform_indices = #map1}, {transform_indices = #map}, {transform_indices = #map1}, {transform_indices = #map1}, {transform_indices = #map}]} {
    %mul3A = arith.constant 2 : i32
    %mul3A_0 = arith.muli %arg1, %mul3A : i32
    %add3A = arith.addi %mul3A_0, %arg0 : i32
    %mul3A_1 = arith.constant 512 : i32
    %mul3A_2 = arith.muli %add3A, %mul3A_1 : i32
    "tpu.region"() ({
      %run_scoped3A = tpu.sem_alloc : memref<!tpu.dma_semaphore, #tpu.memory_space<semaphore_mem>>
      %dma_start3A_190 = tpu.memref_slice %arg2[%mul3A_2] : memref<16384xi32, #tpu.memory_space<hbm>> -> memref<512xi32, #tpu.memory_space<hbm>>
      %dma_start3A_191 = tpu.memref_slice %arg2[%mul3A_2] : memref<16384xi32, #tpu.memory_space<hbm>> -> memref<512xi32, #tpu.memory_space<hbm>>
      tpu.enqueue_dma source(%dma_start3A_191 : memref<512xi32, #tpu.memory_space<hbm>>) target(%arg10 : memref<512xi32, #tpu.memory_space<vmem>>) target_semaphore(%run_scoped3A : memref<!tpu.dma_semaphore, #tpu.memory_space<semaphore_mem>>)
      %dma_wait3A_192 = tpu.memref_slice %arg2[%mul3A_2] : memref<16384xi32, #tpu.memory_space<hbm>> -> memref<512xi32, #tpu.memory_space<hbm>>
      %dma_wait3A_193 = tpu.memref_slice %arg2[%mul3A_2] : memref<16384xi32, #tpu.memory_space<hbm>> -> memref<512xi32, #tpu.memory_space<hbm>>
      tpu.wait_dma2 semaphore(%run_scoped3A : memref<!tpu.dma_semaphore, #tpu.memory_space<semaphore_mem>>) src(%dma_wait3A_193 : memref<512xi32, #tpu.memory_space<hbm>>) dst(%arg10 : memref<512xi32, #tpu.memory_space<vmem>>)
      tpu.yield
    }) : () -> ()
    "tpu.region"() ({
      %run_scoped3A = tpu.sem_alloc : memref<!tpu.dma_semaphore, #tpu.memory_space<semaphore_mem>>
      %dma_start3A_190 = tpu.memref_slice %arg3[%mul3A_2] : memref<16384xi32, #tpu.memory_space<hbm>> -> memref<512xi32, #tpu.memory_space<hbm>>
      %dma_start3A_191 = tpu.memref_slice %arg3[%mul3A_2] : memref<16384xi32, #tpu.memory_space<hbm>> -> memref<512xi32, #tpu.memory_space<hbm>>
      tpu.enqueue_dma source(%dma_start3A_191 : memref<512xi32, #tpu.memory_space<hbm>>) target(%arg11 : memref<512xi32, #tpu.memory_space<vmem>>) target_semaphore(%run_scoped3A : memref<!tpu.dma_semaphore, #tpu.memory_space<semaphore_mem>>)
      %dma_wait3A_192 = tpu.memref_slice %arg3[%mul3A_2] : memref<16384xi32, #tpu.memory_space<hbm>> -> memref<512xi32, #tpu.memory_space<hbm>>
      %dma_wait3A_193 = tpu.memref_slice %arg3[%mul3A_2] : memref<16384xi32, #tpu.memory_space<hbm>> -> memref<512xi32, #tpu.memory_space<hbm>>
      tpu.wait_dma2 semaphore(%run_scoped3A : memref<!tpu.dma_semaphore, #tpu.memory_space<semaphore_mem>>) src(%dma_wait3A_193 : memref<512xi32, #tpu.memory_space<hbm>>) dst(%arg11 : memref<512xi32, #tpu.memory_space<vmem>>)
      tpu.yield
    }) : () -> ()
    %scan3A = arith.constant 0 : i32
    %scan3A_3 = arith.constant 0 : i32
    %scan3A_4 = arith.constant 32 : i32
    %scan3A_5 = arith.addi %scan3A_3, %scan3A_4 : i32
    %scan3A_6 = arith.constant 1 : i32
    scf.for %scan3A_190 = %scan3A_3 to %scan3A_5 step %scan3A_6  : i32 {
      %mul3A_191 = arith.constant 16 : i32
      %mul3A_192 = arith.muli %scan3A_190, %mul3A_191 : i32
      %get3A = arith.index_cast %mul3A_192 : i32 to index
      %get3A_193 = tpu.vector_load %arg10[%get3A] {strides = array<i32>} : memref<512xi32, #tpu.memory_space<vmem>>, vector<16xi32>,
      %get3A_194 = vector.shape_cast %get3A_193 : vector<16xi32> to vector<16xi32>
      %shift_right_logical3A = arith.constant 9 : i32
      %shift_right_logical3A_195 = vector.broadcast %shift_right_logical3A : i32 to vector<16xi32>
      %shift_right_logical3A_196 = arith.shrui %get3A_194, %shift_right_logical3A_195 : vector<16xi32>
      %shift_left3A = arith.constant 8 : i32
      %shift_left3A_197 = vector.broadcast %shift_left3A : i32 to vector<16xi32>
      %shift_left3A_198 = arith.shli %shift_right_logical3A_196, %shift_left3A_197 : vector<16xi32>
      %and3A = arith.constant 255 : i32
      %and3A_199 = vector.broadcast %and3A : i32 to vector<16xi32>
      %and3A_200 = arith.andi %get3A_194, %and3A_199 : vector<16xi32>
      %add3A_201 = arith.addi %shift_left3A_198, %and3A_200 : vector<16xi32>
      %swap3A = arith.index_cast %mul3A_192 : i32 to index
      %swap3A_202 = tpu.vector_load %arg12[%swap3A] {strides = array<i32>} : memref<512xi32, #tpu.memory_space<vmem>>, vector<16xi32>,
      %swap3A_203 = vector.shape_cast %swap3A_202 : vector<16xi32> to vector<16xi32>
      %swap3A_204 = vector.shape_cast %add3A_201 : vector<16xi32> to vector<16xi32>
      tpu.vector_store %arg12[%swap3A], %swap3A_204 {strides = array<i32>} : memref<512xi32, #tpu.memory_space<vmem>>, vector<16xi32>,
      %get3A_205 = arith.index_cast %mul3A_192 : i32 to index
      %get3A_206 = tpu.vector_load %arg11[%get3A_205] {strides = array<i32>} : memref<512xi32, #tpu.memory_space<vmem>>, vector<16xi32>,
      %get3A_207 = vector.shape_cast %get3A_206 : vector<16xi32> to vector<16xi32>
      %ge3A = arith.constant 500 : i32
      %ge3A_208 = vector.broadcast %ge3A : i32 to vector<16xi32>
      %ge3A_209 = arith.cmpi sge, %get3A_207, %ge3A_208 : vector<16xi32>
      %sub3A = arith.constant 500 : i32
      %sub3A_210 = vector.broadcast %sub3A : i32 to vector<16xi32>
      %sub3A_211 = arith.subi %get3A_207, %sub3A_210 : vector<16xi32>
      %select_n3A = arith.select %ge3A_209, %sub3A_211, %get3A_207 : vector<16xi1>, vector<16xi32>
      %swap3A_212 = arith.index_cast %mul3A_192 : i32 to index
      %swap3A_213 = tpu.vector_load %arg13[%swap3A_212] {strides = array<i32>} : memref<512xi32, #tpu.memory_space<vmem>>, vector<16xi32>,
      %swap3A_214 = vector.shape_cast %swap3A_213 : vector<16xi32> to vector<16xi32>
      %swap3A_215 = vector.shape_cast %select_n3A : vector<16xi32> to vector<16xi32>
      tpu.vector_store %arg13[%swap3A_212], %swap3A_215 {strides = array<i32>} : memref<512xi32, #tpu.memory_space<vmem>>, vector<16xi32>,
    }
    %scan3A_7 = arith.constant 32 : i32
    %dma_start3A = arith.constant 0 : i32
    %dma_start3A_8 = tpu.memref_slice %arg16[%dma_start3A] : memref<512xf32, #tpu.memory_space<vmem>> -> memref<128xf32, #tpu.memory_space<vmem>>
    %dma_start3A_9 = arith.constant 0 : i32
    %dma_start3A_10 = tpu.memref_slice %arg11[%dma_start3A_9] : memref<512xi32, #tpu.memory_space<vmem>> -> memref<128xi32, #tpu.memory_space<vmem>>
    %dma_start3A_11 = arith.constant 0 : i32
    %dma_start3A_12 = tpu.memref_slice %arg6[%dma_start3A_11] : memref<1024xf32, #tpu.memory_space<hbm>> -> memref<1024xf32, #tpu.memory_space<hbm>>
    tpu.enqueue_indirect_dma source(%dma_start3A_12 : memref<1024xf32, #tpu.memory_space<hbm>>) target(%dma_start3A_8 : memref<128xf32, #tpu.memory_space<vmem>>) offsets(%dma_start3A_10 : memref<128xi32, #tpu.memory_space<vmem>>) semaphore(%arg19 : memref<!tpu.dma_semaphore, #tpu.memory_space<semaphore_mem>>)
    %dma_start3A_13 = arith.constant 128 : i32
    %dma_start3A_14 = tpu.memref_slice %arg16[%dma_start3A_13] : memref<512xf32, #tpu.memory_space<vmem>> -> memref<128xf32, #tpu.memory_space<vmem>>
    %dma_start3A_15 = arith.constant 128 : i32
    %dma_start3A_16 = tpu.memref_slice %arg11[%dma_start3A_15] : memref<512xi32, #tpu.memory_space<vmem>> -> memref<128xi32, #tpu.memory_space<vmem>>
    %dma_start3A_17 = arith.constant 0 : i32
    %dma_start3A_18 = tpu.memref_slice %arg6[%dma_start3A_17] : memref<1024xf32, #tpu.memory_space<hbm>> -> memref<1024xf32, #tpu.memory_space<hbm>>
    tpu.enqueue_indirect_dma source(%dma_start3A_18 : memref<1024xf32, #tpu.memory_space<hbm>>) target(%dma_start3A_14 : memref<128xf32, #tpu.memory_space<vmem>>) offsets(%dma_start3A_16 : memref<128xi32, #tpu.memory_space<vmem>>) semaphore(%arg19 : memref<!tpu.dma_semaphore, #tpu.memory_space<semaphore_mem>>)
    %dma_start3A_19 = arith.constant 256 : i32
    %dma_start3A_20 = tpu.memref_slice %arg16[%dma_start3A_19] : memref<512xf32, #tpu.memory_space<vmem>> -> memref<128xf32, #tpu.memory_space<vmem>>
    %dma_start3A_21 = arith.constant 256 : i32
    %dma_start3A_22 = tpu.memref_slice %arg11[%dma_start3A_21] : memref<512xi32, #tpu.memory_space<vmem>> -> memref<128xi32, #tpu.memory_space<vmem>>
    %dma_start3A_23 = arith.constant 0 : i32
    %dma_start3A_24 = tpu.memref_slice %arg6[%dma_start3A_23] : memref<1024xf32, #tpu.memory_space<hbm>> -> memref<1024xf32, #tpu.memory_space<hbm>>
    tpu.enqueue_indirect_dma source(%dma_start3A_24 : memref<1024xf32, #tpu.memory_space<hbm>>) target(%dma_start3A_20 : memref<128xf32, #tpu.memory_space<vmem>>) offsets(%dma_start3A_22 : memref<128xi32, #tpu.memory_space<vmem>>) semaphore(%arg19 : memref<!tpu.dma_semaphore, #tpu.memory_space<semaphore_mem>>)
    %dma_start3A_25 = arith.constant 384 : i32
    %dma_start3A_26 = tpu.memref_slice %arg16[%dma_start3A_25] : memref<512xf32, #tpu.memory_space<vmem>> -> memref<128xf32, #tpu.memory_space<vmem>>
    %dma_start3A_27 = arith.constant 384 : i32
    %dma_start3A_28 = tpu.memref_slice %arg11[%dma_start3A_27] : memref<512xi32, #tpu.memory_space<vmem>> -> memref<128xi32, #tpu.memory_space<vmem>>
    %dma_start3A_29 = arith.constant 0 : i32
    %dma_start3A_30 = tpu.memref_slice %arg6[%dma_start3A_29] : memref<1024xf32, #tpu.memory_space<hbm>> -> memref<1024xf32, #tpu.memory_space<hbm>>
    tpu.enqueue_indirect_dma source(%dma_start3A_30 : memref<1024xf32, #tpu.memory_space<hbm>>) target(%dma_start3A_26 : memref<128xf32, #tpu.memory_space<vmem>>) offsets(%dma_start3A_28 : memref<128xi32, #tpu.memory_space<vmem>>) semaphore(%arg19 : memref<!tpu.dma_semaphore, #tpu.memory_space<semaphore_mem>>)
    %dma_start3A_31 = arith.constant 0 : i32
    %dma_start3A_32 = arith.constant 0 : i32
    %dma_start3A_33 = tpu.memref_slice %arg14[%dma_start3A_31, %dma_start3A_32] : memref<256x128xf32, #tpu.memory_space<vmem>> -> memref<128x128xf32, #tpu.memory_space<vmem>>
    %dma_start3A_34 = arith.constant 0 : i32
    %dma_start3A_35 = tpu.memref_slice %arg12[%dma_start3A_34] : memref<512xi32, #tpu.memory_space<vmem>> -> memref<128xi32, #tpu.memory_space<vmem>>
    %dma_start3A_36 = arith.constant 0 : i32
    %dma_start3A_37 = arith.constant 0 : i32
    %dma_start3A_38 = tpu.memref_slice %arg4[%dma_start3A_36, %dma_start3A_37] : memref<50176x128xf32, #tpu.memory_space<hbm>> -> memref<50176x128xf32, #tpu.memory_space<hbm>>
    tpu.enqueue_indirect_dma source(%dma_start3A_38 : memref<50176x128xf32, #tpu.memory_space<hbm>>) target(%dma_start3A_33 : memref<128x128xf32, #tpu.memory_space<vmem>>) offsets(%dma_start3A_35 : memref<128xi32, #tpu.memory_space<vmem>>) semaphore(%arg17 : memref<!tpu.dma_semaphore, #tpu.memory_space<semaphore_mem>>)
    %dma_start3A_39 = arith.constant 0 : i32
    %dma_start3A_40 = arith.constant 0 : i32
    %dma_start3A_41 = tpu.memref_slice %arg15[%dma_start3A_39, %dma_start3A_40] : memref<256x128xf32, #tpu.memory_space<vmem>> -> memref<128x128xf32, #tpu.memory_space<vmem>>
    %dma_start3A_42 = arith.constant 0 : i32
    %dma_start3A_43 = tpu.memref_slice %arg13[%dma_start3A_42] : memref<512xi32, #tpu.memory_space<vmem>> -> memref<128xi32, #tpu.memory_space<vmem>>
    %dma_start3A_44 = arith.constant 0 : i32
    %dma_start3A_45 = arith.constant 0 : i32
    %dma_start3A_46 = tpu.memref_slice %arg5[%dma_start3A_44, %dma_start3A_45] : memref<500x128xf32, #tpu.memory_space<hbm>> -> memref<500x128xf32, #tpu.memory_space<hbm>>
    tpu.enqueue_indirect_dma source(%dma_start3A_46 : memref<500x128xf32, #tpu.memory_space<hbm>>) target(%dma_start3A_41 : memref<128x128xf32, #tpu.memory_space<vmem>>) offsets(%dma_start3A_43 : memref<128xi32, #tpu.memory_space<vmem>>) semaphore(%arg18 : memref<!tpu.dma_semaphore, #tpu.memory_space<semaphore_mem>>)
    %dma_start3A_47 = arith.constant 128 : i32
    %dma_start3A_48 = arith.constant 0 : i32
    %dma_start3A_49 = tpu.memref_slice %arg14[%dma_start3A_47, %dma_start3A_48] : memref<256x128xf32, #tpu.memory_space<vmem>> -> memref<128x128xf32, #tpu.memory_space<vmem>>
    %dma_start3A_50 = arith.constant 128 : i32
    %dma_start3A_51 = tpu.memref_slice %arg12[%dma_start3A_50] : memref<512xi32, #tpu.memory_space<vmem>> -> memref<128xi32, #tpu.memory_space<vmem>>
    %dma_start3A_52 = arith.constant 0 : i32
    %dma_start3A_53 = arith.constant 0 : i32
    %dma_start3A_54 = tpu.memref_slice %arg4[%dma_start3A_52, %dma_start3A_53] : memref<50176x128xf32, #tpu.memory_space<hbm>> -> memref<50176x128xf32, #tpu.memory_space<hbm>>
    tpu.enqueue_indirect_dma source(%dma_start3A_54 : memref<50176x128xf32, #tpu.memory_space<hbm>>) target(%dma_start3A_49 : memref<128x128xf32, #tpu.memory_space<vmem>>) offsets(%dma_start3A_51 : memref<128xi32, #tpu.memory_space<vmem>>) semaphore(%arg17 : memref<!tpu.dma_semaphore, #tpu.memory_space<semaphore_mem>>)
    %dma_start3A_55 = arith.constant 128 : i32
    %dma_start3A_56 = arith.constant 0 : i32
    %dma_start3A_57 = tpu.memref_slice %arg15[%dma_start3A_55, %dma_start3A_56] : memref<256x128xf32, #tpu.memory_space<vmem>> -> memref<128x128xf32, #tpu.memory_space<vmem>>
    %dma_start3A_58 = arith.constant 128 : i32
    %dma_start3A_59 = tpu.memref_slice %arg13[%dma_start3A_58] : memref<512xi32, #tpu.memory_space<vmem>> -> memref<128xi32, #tpu.memory_space<vmem>>
    %dma_start3A_60 = arith.constant 0 : i32
    %dma_start3A_61 = arith.constant 0 : i32
    %dma_start3A_62 = tpu.memref_slice %arg5[%dma_start3A_60, %dma_start3A_61] : memref<500x128xf32, #tpu.memory_space<hbm>> -> memref<500x128xf32, #tpu.memory_space<hbm>>
    tpu.enqueue_indirect_dma source(%dma_start3A_62 : memref<500x128xf32, #tpu.memory_space<hbm>>) target(%dma_start3A_57 : memref<128x128xf32, #tpu.memory_space<vmem>>) offsets(%dma_start3A_59 : memref<128xi32, #tpu.memory_space<vmem>>) semaphore(%arg18 : memref<!tpu.dma_semaphore, #tpu.memory_space<semaphore_mem>>)
    %dma_wait3A = arith.constant 0 : i32
    %dma_wait3A_63 = arith.constant 0 : i32
    %dma_wait3A_64 = tpu.memref_slice %arg14[%dma_wait3A, %dma_wait3A_63] : memref<256x128xf32, #tpu.memory_space<vmem>> -> memref<128x128xf32, #tpu.memory_space<vmem>>
    %dma_wait3A_65 = arith.constant 0 : i32
    %dma_wait3A_66 = tpu.memref_slice %arg12[%dma_wait3A_65] : memref<512xi32, #tpu.memory_space<vmem>> -> memref<128xi32, #tpu.memory_space<vmem>>
    %dma_wait3A_67 = arith.constant 0 : i32
    %dma_wait3A_68 = arith.constant 0 : i32
    %dma_wait3A_69 = tpu.memref_slice %arg4[%dma_wait3A_67, %dma_wait3A_68] : memref<50176x128xf32, #tpu.memory_space<hbm>> -> memref<50176x128xf32, #tpu.memory_space<hbm>>
    tpu.wait_indirect_dma semaphore(%arg17 : memref<!tpu.dma_semaphore, #tpu.memory_space<semaphore_mem>>) src(%dma_wait3A_69 : memref<50176x128xf32, #tpu.memory_space<hbm>>) dst(%dma_wait3A_64 : memref<128x128xf32, #tpu.memory_space<vmem>>)
    %dma_wait3A_70 = arith.constant 0 : i32
    %dma_wait3A_71 = arith.constant 0 : i32
    %dma_wait3A_72 = tpu.memref_slice %arg15[%dma_wait3A_70, %dma_wait3A_71] : memref<256x128xf32, #tpu.memory_space<vmem>> -> memref<128x128xf32, #tpu.memory_space<vmem>>
    %dma_wait3A_73 = arith.constant 0 : i32
    %dma_wait3A_74 = tpu.memref_slice %arg13[%dma_wait3A_73] : memref<512xi32, #tpu.memory_space<vmem>> -> memref<128xi32, #tpu.memory_space<vmem>>
    %dma_wait3A_75 = arith.constant 0 : i32
    %dma_wait3A_76 = arith.constant 0 : i32
    %dma_wait3A_77 = tpu.memref_slice %arg5[%dma_wait3A_75, %dma_wait3A_76] : memref<500x128xf32, #tpu.memory_space<hbm>> -> memref<500x128xf32, #tpu.memory_space<hbm>>
    tpu.wait_indirect_dma semaphore(%arg18 : memref<!tpu.dma_semaphore, #tpu.memory_space<semaphore_mem>>) src(%dma_wait3A_77 : memref<500x128xf32, #tpu.memory_space<hbm>>) dst(%dma_wait3A_72 : memref<128x128xf32, #tpu.memory_space<vmem>>)
    %dma_wait3A_78 = arith.constant 128 : i32
    %dma_wait3A_79 = arith.constant 0 : i32
    %dma_wait3A_80 = tpu.memref_slice %arg14[%dma_wait3A_78, %dma_wait3A_79] : memref<256x128xf32, #tpu.memory_space<vmem>> -> memref<128x128xf32, #tpu.memory_space<vmem>>
    %dma_wait3A_81 = arith.constant 128 : i32
    %dma_wait3A_82 = tpu.memref_slice %arg12[%dma_wait3A_81] : memref<512xi32, #tpu.memory_space<vmem>> -> memref<128xi32, #tpu.memory_space<vmem>>
    %dma_wait3A_83 = arith.constant 0 : i32
    %dma_wait3A_84 = arith.constant 0 : i32
    %dma_wait3A_85 = tpu.memref_slice %arg4[%dma_wait3A_83, %dma_wait3A_84] : memref<50176x128xf32, #tpu.memory_space<hbm>> -> memref<50176x128xf32, #tpu.memory_space<hbm>>
    tpu.wait_indirect_dma semaphore(%arg17 : memref<!tpu.dma_semaphore, #tpu.memory_space<semaphore_mem>>) src(%dma_wait3A_85 : memref<50176x128xf32, #tpu.memory_space<hbm>>) dst(%dma_wait3A_80 : memref<128x128xf32, #tpu.memory_space<vmem>>)
    %dma_wait3A_86 = arith.constant 128 : i32
    %dma_wait3A_87 = arith.constant 0 : i32
    %dma_wait3A_88 = tpu.memref_slice %arg15[%dma_wait3A_86, %dma_wait3A_87] : memref<256x128xf32, #tpu.memory_space<vmem>> -> memref<128x128xf32, #tpu.memory_space<vmem>>
    %dma_wait3A_89 = arith.constant 128 : i32
    %dma_wait3A_90 = tpu.memref_slice %arg13[%dma_wait3A_89] : memref<512xi32, #tpu.memory_space<vmem>> -> memref<128xi32, #tpu.memory_space<vmem>>
    %dma_wait3A_91 = arith.constant 0 : i32
    %dma_wait3A_92 = arith.constant 0 : i32
    %dma_wait3A_93 = tpu.memref_slice %arg5[%dma_wait3A_91, %dma_wait3A_92] : memref<500x128xf32, #tpu.memory_space<hbm>> -> memref<500x128xf32, #tpu.memory_space<hbm>>
    tpu.wait_indirect_dma semaphore(%arg18 : memref<!tpu.dma_semaphore, #tpu.memory_space<semaphore_mem>>) src(%dma_wait3A_93 : memref<500x128xf32, #tpu.memory_space<hbm>>) dst(%dma_wait3A_88 : memref<128x128xf32, #tpu.memory_space<vmem>>)
    %add3A_94 = arith.constant 0 : i32
    %add3A_95 = arith.addi %mul3A_2, %add3A_94 : i32
    "tpu.region"() ({
      %run_scoped3A = tpu.sem_alloc : memref<!tpu.dma_semaphore, #tpu.memory_space<semaphore_mem>>
      %dma_start3A_190 = arith.constant 0 : i32
      %dma_start3A_191 = tpu.memref_slice %arg7[%add3A_95, %dma_start3A_190] : memref<16384x128xf32, #tpu.memory_space<hbm>> -> memref<256x128xf32, #tpu.memory_space<hbm>>
      %dma_start3A_192 = arith.constant 0 : i32
      %dma_start3A_193 = tpu.memref_slice %arg7[%add3A_95, %dma_start3A_192] : memref<16384x128xf32, #tpu.memory_space<hbm>> -> memref<256x128xf32, #tpu.memory_space<hbm>>
      tpu.enqueue_dma source(%arg14 : memref<256x128xf32, #tpu.memory_space<vmem>>) target(%dma_start3A_193 : memref<256x128xf32, #tpu.memory_space<hbm>>) target_semaphore(%run_scoped3A : memref<!tpu.dma_semaphore, #tpu.memory_space<semaphore_mem>>)
      %dma_wait3A_194 = arith.constant 0 : i32
      %dma_wait3A_195 = tpu.memref_slice %arg7[%add3A_95, %dma_wait3A_194] : memref<16384x128xf32, #tpu.memory_space<hbm>> -> memref<256x128xf32, #tpu.memory_space<hbm>>
      %dma_wait3A_196 = arith.constant 0 : i32
      %dma_wait3A_197 = tpu.memref_slice %arg7[%add3A_95, %dma_wait3A_196] : memref<16384x128xf32, #tpu.memory_space<hbm>> -> memref<256x128xf32, #tpu.memory_space<hbm>>
      tpu.wait_dma2 semaphore(%run_scoped3A : memref<!tpu.dma_semaphore, #tpu.memory_space<semaphore_mem>>) src(%arg14 : memref<256x128xf32, #tpu.memory_space<vmem>>) dst(%dma_wait3A_197 : memref<256x128xf32, #tpu.memory_space<hbm>>)
      tpu.yield
    }) : () -> ()
    %add3A_96 = arith.constant 0 : i32
    %add3A_97 = arith.addi %mul3A_2, %add3A_96 : i32
    "tpu.region"() ({
      %run_scoped3A = tpu.sem_alloc : memref<!tpu.dma_semaphore, #tpu.memory_space<semaphore_mem>>
      %dma_start3A_190 = arith.constant 0 : i32
      %dma_start3A_191 = tpu.memref_slice %arg8[%add3A_97, %dma_start3A_190] : memref<16384x128xf32, #tpu.memory_space<hbm>> -> memref<256x128xf32, #tpu.memory_space<hbm>>
      %dma_start3A_192 = arith.constant 0 : i32
      %dma_start3A_193 = tpu.memref_slice %arg8[%add3A_97, %dma_start3A_192] : memref<16384x128xf32, #tpu.memory_space<hbm>> -> memref<256x128xf32, #tpu.memory_space<hbm>>
      tpu.enqueue_dma source(%arg15 : memref<256x128xf32, #tpu.memory_space<vmem>>) target(%dma_start3A_193 : memref<256x128xf32, #tpu.memory_space<hbm>>) target_semaphore(%run_scoped3A : memref<!tpu.dma_semaphore, #tpu.memory_space<semaphore_mem>>)
      %dma_wait3A_194 = arith.constant 0 : i32
      %dma_wait3A_195 = tpu.memref_slice %arg8[%add3A_97, %dma_wait3A_194] : memref<16384x128xf32, #tpu.memory_space<hbm>> -> memref<256x128xf32, #tpu.memory_space<hbm>>
      %dma_wait3A_196 = arith.constant 0 : i32
      %dma_wait3A_197 = tpu.memref_slice %arg8[%add3A_97, %dma_wait3A_196] : memref<16384x128xf32, #tpu.memory_space<hbm>> -> memref<256x128xf32, #tpu.memory_space<hbm>>
      tpu.wait_dma2 semaphore(%run_scoped3A : memref<!tpu.dma_semaphore, #tpu.memory_space<semaphore_mem>>) src(%arg15 : memref<256x128xf32, #tpu.memory_space<vmem>>) dst(%dma_wait3A_197 : memref<256x128xf32, #tpu.memory_space<hbm>>)
      tpu.yield
    }) : () -> ()
    %dma_start3A_98 = arith.constant 0 : i32
    %dma_start3A_99 = arith.constant 0 : i32
    %dma_start3A_100 = tpu.memref_slice %arg14[%dma_start3A_98, %dma_start3A_99] : memref<256x128xf32, #tpu.memory_space<vmem>> -> memref<128x128xf32, #tpu.memory_space<vmem>>
    %dma_start3A_101 = arith.constant 256 : i32
    %dma_start3A_102 = tpu.memref_slice %arg12[%dma_start3A_101] : memref<512xi32, #tpu.memory_space<vmem>> -> memref<128xi32, #tpu.memory_space<vmem>>
    %dma_start3A_103 = arith.constant 0 : i32
    %dma_start3A_104 = arith.constant 0 : i32
    %dma_start3A_105 = tpu.memref_slice %arg4[%dma_start3A_103, %dma_start3A_104] : memref<50176x128xf32, #tpu.memory_space<hbm>> -> memref<50176x128xf32, #tpu.memory_space<hbm>>
    tpu.enqueue_indirect_dma source(%dma_start3A_105 : memref<50176x128xf32, #tpu.memory_space<hbm>>) target(%dma_start3A_100 : memref<128x128xf32, #tpu.memory_space<vmem>>) offsets(%dma_start3A_102 : memref<128xi32, #tpu.memory_space<vmem>>) semaphore(%arg17 : memref<!tpu.dma_semaphore, #tpu.memory_space<semaphore_mem>>)
    %dma_start3A_106 = arith.constant 0 : i32
    %dma_start3A_107 = arith.constant 0 : i32
    %dma_start3A_108 = tpu.memref_slice %arg15[%dma_start3A_106, %dma_start3A_107] : memref<256x128xf32, #tpu.memory_space<vmem>> -> memref<128x128xf32, #tpu.memory_space<vmem>>
    %dma_start3A_109 = arith.constant 256 : i32
    %dma_start3A_110 = tpu.memref_slice %arg13[%dma_start3A_109] : memref<512xi32, #tpu.memory_space<vmem>> -> memref<128xi32, #tpu.memory_space<vmem>>
    %dma_start3A_111 = arith.constant 0 : i32
    %dma_start3A_112 = arith.constant 0 : i32
    %dma_start3A_113 = tpu.memref_slice %arg5[%dma_start3A_111, %dma_start3A_112] : memref<500x128xf32, #tpu.memory_space<hbm>> -> memref<500x128xf32, #tpu.memory_space<hbm>>
    tpu.enqueue_indirect_dma source(%dma_start3A_113 : memref<500x128xf32, #tpu.memory_space<hbm>>) target(%dma_start3A_108 : memref<128x128xf32, #tpu.memory_space<vmem>>) offsets(%dma_start3A_110 : memref<128xi32, #tpu.memory_space<vmem>>) semaphore(%arg18 : memref<!tpu.dma_semaphore, #tpu.memory_space<semaphore_mem>>)
    %dma_start3A_114 = arith.constant 128 : i32
    %dma_start3A_115 = arith.constant 0 : i32
    %dma_start3A_116 = tpu.memref_slice %arg14[%dma_start3A_114, %dma_start3A_115] : memref<256x128xf32, #tpu.memory_space<vmem>> -> memref<128x128xf32, #tpu.memory_space<vmem>>
    %dma_start3A_117 = arith.constant 384 : i32
    %dma_start3A_118 = tpu.memref_slice %arg12[%dma_start3A_117] : memref<512xi32, #tpu.memory_space<vmem>> -> memref<128xi32, #tpu.memory_space<vmem>>
    %dma_start3A_119 = arith.constant 0 : i32
    %dma_start3A_120 = arith.constant 0 : i32
    %dma_start3A_121 = tpu.memref_slice %arg4[%dma_start3A_119, %dma_start3A_120] : memref<50176x128xf32, #tpu.memory_space<hbm>> -> memref<50176x128xf32, #tpu.memory_space<hbm>>
    tpu.enqueue_indirect_dma source(%dma_start3A_121 : memref<50176x128xf32, #tpu.memory_space<hbm>>) target(%dma_start3A_116 : memref<128x128xf32, #tpu.memory_space<vmem>>) offsets(%dma_start3A_118 : memref<128xi32, #tpu.memory_space<vmem>>) semaphore(%arg17 : memref<!tpu.dma_semaphore, #tpu.memory_space<semaphore_mem>>)
    %dma_start3A_122 = arith.constant 128 : i32
    %dma_start3A_123 = arith.constant 0 : i32
    %dma_start3A_124 = tpu.memref_slice %arg15[%dma_start3A_122, %dma_start3A_123] : memref<256x128xf32, #tpu.memory_space<vmem>> -> memref<128x128xf32, #tpu.memory_space<vmem>>
    %dma_start3A_125 = arith.constant 384 : i32
    %dma_start3A_126 = tpu.memref_slice %arg13[%dma_start3A_125] : memref<512xi32, #tpu.memory_space<vmem>> -> memref<128xi32, #tpu.memory_space<vmem>>
    %dma_start3A_127 = arith.constant 0 : i32
    %dma_start3A_128 = arith.constant 0 : i32
    %dma_start3A_129 = tpu.memref_slice %arg5[%dma_start3A_127, %dma_start3A_128] : memref<500x128xf32, #tpu.memory_space<hbm>> -> memref<500x128xf32, #tpu.memory_space<hbm>>
    tpu.enqueue_indirect_dma source(%dma_start3A_129 : memref<500x128xf32, #tpu.memory_space<hbm>>) target(%dma_start3A_124 : memref<128x128xf32, #tpu.memory_space<vmem>>) offsets(%dma_start3A_126 : memref<128xi32, #tpu.memory_space<vmem>>) semaphore(%arg18 : memref<!tpu.dma_semaphore, #tpu.memory_space<semaphore_mem>>)
    %dma_wait3A_130 = arith.constant 0 : i32
    %dma_wait3A_131 = arith.constant 0 : i32
    %dma_wait3A_132 = tpu.memref_slice %arg14[%dma_wait3A_130, %dma_wait3A_131] : memref<256x128xf32, #tpu.memory_space<vmem>> -> memref<128x128xf32, #tpu.memory_space<vmem>>
    %dma_wait3A_133 = arith.constant 256 : i32
    %dma_wait3A_134 = tpu.memref_slice %arg12[%dma_wait3A_133] : memref<512xi32, #tpu.memory_space<vmem>> -> memref<128xi32, #tpu.memory_space<vmem>>
    %dma_wait3A_135 = arith.constant 0 : i32
    %dma_wait3A_136 = arith.constant 0 : i32
    %dma_wait3A_137 = tpu.memref_slice %arg4[%dma_wait3A_135, %dma_wait3A_136] : memref<50176x128xf32, #tpu.memory_space<hbm>> -> memref<50176x128xf32, #tpu.memory_space<hbm>>
    tpu.wait_indirect_dma semaphore(%arg17 : memref<!tpu.dma_semaphore, #tpu.memory_space<semaphore_mem>>) src(%dma_wait3A_137 : memref<50176x128xf32, #tpu.memory_space<hbm>>) dst(%dma_wait3A_132 : memref<128x128xf32, #tpu.memory_space<vmem>>)
    %dma_wait3A_138 = arith.constant 0 : i32
    %dma_wait3A_139 = arith.constant 0 : i32
    %dma_wait3A_140 = tpu.memref_slice %arg15[%dma_wait3A_138, %dma_wait3A_139] : memref<256x128xf32, #tpu.memory_space<vmem>> -> memref<128x128xf32, #tpu.memory_space<vmem>>
    %dma_wait3A_141 = arith.constant 256 : i32
    %dma_wait3A_142 = tpu.memref_slice %arg13[%dma_wait3A_141] : memref<512xi32, #tpu.memory_space<vmem>> -> memref<128xi32, #tpu.memory_space<vmem>>
    %dma_wait3A_143 = arith.constant 0 : i32
    %dma_wait3A_144 = arith.constant 0 : i32
    %dma_wait3A_145 = tpu.memref_slice %arg5[%dma_wait3A_143, %dma_wait3A_144] : memref<500x128xf32, #tpu.memory_space<hbm>> -> memref<500x128xf32, #tpu.memory_space<hbm>>
    tpu.wait_indirect_dma semaphore(%arg18 : memref<!tpu.dma_semaphore, #tpu.memory_space<semaphore_mem>>) src(%dma_wait3A_145 : memref<500x128xf32, #tpu.memory_space<hbm>>) dst(%dma_wait3A_140 : memref<128x128xf32, #tpu.memory_space<vmem>>)
    %dma_wait3A_146 = arith.constant 128 : i32
    %dma_wait3A_147 = arith.constant 0 : i32
    %dma_wait3A_148 = tpu.memref_slice %arg14[%dma_wait3A_146, %dma_wait3A_147] : memref<256x128xf32, #tpu.memory_space<vmem>> -> memref<128x128xf32, #tpu.memory_space<vmem>>
    %dma_wait3A_149 = arith.constant 384 : i32
    %dma_wait3A_150 = tpu.memref_slice %arg12[%dma_wait3A_149] : memref<512xi32, #tpu.memory_space<vmem>> -> memref<128xi32, #tpu.memory_space<vmem>>
    %dma_wait3A_151 = arith.constant 0 : i32
    %dma_wait3A_152 = arith.constant 0 : i32
    %dma_wait3A_153 = tpu.memref_slice %arg4[%dma_wait3A_151, %dma_wait3A_152] : memref<50176x128xf32, #tpu.memory_space<hbm>> -> memref<50176x128xf32, #tpu.memory_space<hbm>>
    tpu.wait_indirect_dma semaphore(%arg17 : memref<!tpu.dma_semaphore, #tpu.memory_space<semaphore_mem>>) src(%dma_wait3A_153 : memref<50176x128xf32, #tpu.memory_space<hbm>>) dst(%dma_wait3A_148 : memref<128x128xf32, #tpu.memory_space<vmem>>)
    %dma_wait3A_154 = arith.constant 128 : i32
    %dma_wait3A_155 = arith.constant 0 : i32
    %dma_wait3A_156 = tpu.memref_slice %arg15[%dma_wait3A_154, %dma_wait3A_155] : memref<256x128xf32, #tpu.memory_space<vmem>> -> memref<128x128xf32, #tpu.memory_space<vmem>>
    %dma_wait3A_157 = arith.constant 384 : i32
    %dma_wait3A_158 = tpu.memref_slice %arg13[%dma_wait3A_157] : memref<512xi32, #tpu.memory_space<vmem>> -> memref<128xi32, #tpu.memory_space<vmem>>
    %dma_wait3A_159 = arith.constant 0 : i32
    %dma_wait3A_160 = arith.constant 0 : i32
    %dma_wait3A_161 = tpu.memref_slice %arg5[%dma_wait3A_159, %dma_wait3A_160] : memref<500x128xf32, #tpu.memory_space<hbm>> -> memref<500x128xf32, #tpu.memory_space<hbm>>
    tpu.wait_indirect_dma semaphore(%arg18 : memref<!tpu.dma_semaphore, #tpu.memory_space<semaphore_mem>>) src(%dma_wait3A_161 : memref<500x128xf32, #tpu.memory_space<hbm>>) dst(%dma_wait3A_156 : memref<128x128xf32, #tpu.memory_space<vmem>>)
    %add3A_162 = arith.constant 256 : i32
    %add3A_163 = arith.addi %mul3A_2, %add3A_162 : i32
    "tpu.region"() ({
      %run_scoped3A = tpu.sem_alloc : memref<!tpu.dma_semaphore, #tpu.memory_space<semaphore_mem>>
      %dma_start3A_190 = arith.constant 0 : i32
      %dma_start3A_191 = tpu.memref_slice %arg7[%add3A_163, %dma_start3A_190] : memref<16384x128xf32, #tpu.memory_space<hbm>> -> memref<256x128xf32, #tpu.memory_space<hbm>>
      %dma_start3A_192 = arith.constant 0 : i32
      %dma_start3A_193 = tpu.memref_slice %arg7[%add3A_163, %dma_start3A_192] : memref<16384x128xf32, #tpu.memory_space<hbm>> -> memref<256x128xf32, #tpu.memory_space<hbm>>
      tpu.enqueue_dma source(%arg14 : memref<256x128xf32, #tpu.memory_space<vmem>>) target(%dma_start3A_193 : memref<256x128xf32, #tpu.memory_space<hbm>>) target_semaphore(%run_scoped3A : memref<!tpu.dma_semaphore, #tpu.memory_space<semaphore_mem>>)
      %dma_wait3A_194 = arith.constant 0 : i32
      %dma_wait3A_195 = tpu.memref_slice %arg7[%add3A_163, %dma_wait3A_194] : memref<16384x128xf32, #tpu.memory_space<hbm>> -> memref<256x128xf32, #tpu.memory_space<hbm>>
      %dma_wait3A_196 = arith.constant 0 : i32
      %dma_wait3A_197 = tpu.memref_slice %arg7[%add3A_163, %dma_wait3A_196] : memref<16384x128xf32, #tpu.memory_space<hbm>> -> memref<256x128xf32, #tpu.memory_space<hbm>>
      tpu.wait_dma2 semaphore(%run_scoped3A : memref<!tpu.dma_semaphore, #tpu.memory_space<semaphore_mem>>) src(%arg14 : memref<256x128xf32, #tpu.memory_space<vmem>>) dst(%dma_wait3A_197 : memref<256x128xf32, #tpu.memory_space<hbm>>)
      tpu.yield
    }) : () -> ()
    %add3A_164 = arith.constant 256 : i32
    %add3A_165 = arith.addi %mul3A_2, %add3A_164 : i32
    "tpu.region"() ({
      %run_scoped3A = tpu.sem_alloc : memref<!tpu.dma_semaphore, #tpu.memory_space<semaphore_mem>>
      %dma_start3A_190 = arith.constant 0 : i32
      %dma_start3A_191 = tpu.memref_slice %arg8[%add3A_165, %dma_start3A_190] : memref<16384x128xf32, #tpu.memory_space<hbm>> -> memref<256x128xf32, #tpu.memory_space<hbm>>
      %dma_start3A_192 = arith.constant 0 : i32
      %dma_start3A_193 = tpu.memref_slice %arg8[%add3A_165, %dma_start3A_192] : memref<16384x128xf32, #tpu.memory_space<hbm>> -> memref<256x128xf32, #tpu.memory_space<hbm>>
      tpu.enqueue_dma source(%arg15 : memref<256x128xf32, #tpu.memory_space<vmem>>) target(%dma_start3A_193 : memref<256x128xf32, #tpu.memory_space<hbm>>) target_semaphore(%run_scoped3A : memref<!tpu.dma_semaphore, #tpu.memory_space<semaphore_mem>>)
      %dma_wait3A_194 = arith.constant 0 : i32
      %dma_wait3A_195 = tpu.memref_slice %arg8[%add3A_165, %dma_wait3A_194] : memref<16384x128xf32, #tpu.memory_space<hbm>> -> memref<256x128xf32, #tpu.memory_space<hbm>>
      %dma_wait3A_196 = arith.constant 0 : i32
      %dma_wait3A_197 = tpu.memref_slice %arg8[%add3A_165, %dma_wait3A_196] : memref<16384x128xf32, #tpu.memory_space<hbm>> -> memref<256x128xf32, #tpu.memory_space<hbm>>
      tpu.wait_dma2 semaphore(%run_scoped3A : memref<!tpu.dma_semaphore, #tpu.memory_space<semaphore_mem>>) src(%arg15 : memref<256x128xf32, #tpu.memory_space<vmem>>) dst(%dma_wait3A_197 : memref<256x128xf32, #tpu.memory_space<hbm>>)
      tpu.yield
    }) : () -> ()
    %dma_wait3A_166 = arith.constant 0 : i32
    %dma_wait3A_167 = tpu.memref_slice %arg16[%dma_wait3A_166] : memref<512xf32, #tpu.memory_space<vmem>> -> memref<128xf32, #tpu.memory_space<vmem>>
    %dma_wait3A_168 = arith.constant 0 : i32
    %dma_wait3A_169 = tpu.memref_slice %arg11[%dma_wait3A_168] : memref<512xi32, #tpu.memory_space<vmem>> -> memref<128xi32, #tpu.memory_space<vmem>>
    %dma_wait3A_170 = arith.constant 0 : i32
    %dma_wait3A_171 = tpu.memref_slice %arg6[%dma_wait3A_170] : memref<1024xf32, #tpu.memory_space<hbm>> -> memref<1024xf32, #tpu.memory_space<hbm>>
    tpu.wait_indirect_dma semaphore(%arg19 : memref<!tpu.dma_semaphore, #tpu.memory_space<semaphore_mem>>) src(%dma_wait3A_171 : memref<1024xf32, #tpu.memory_space<hbm>>) dst(%dma_wait3A_167 : memref<128xf32, #tpu.memory_space<vmem>>)
    %dma_wait3A_172 = arith.constant 128 : i32
    %dma_wait3A_173 = tpu.memref_slice %arg16[%dma_wait3A_172] : memref<512xf32, #tpu.memory_space<vmem>> -> memref<128xf32, #tpu.memory_space<vmem>>
    %dma_wait3A_174 = arith.constant 128 : i32
    %dma_wait3A_175 = tpu.memref_slice %arg11[%dma_wait3A_174] : memref<512xi32, #tpu.memory_space<vmem>> -> memref<128xi32, #tpu.memory_space<vmem>>
    %dma_wait3A_176 = arith.constant 0 : i32
    %dma_wait3A_177 = tpu.memref_slice %arg6[%dma_wait3A_176] : memref<1024xf32, #tpu.memory_space<hbm>> -> memref<1024xf32, #tpu.memory_space<hbm>>
    tpu.wait_indirect_dma semaphore(%arg19 : memref<!tpu.dma_semaphore, #tpu.memory_space<semaphore_mem>>) src(%dma_wait3A_177 : memref<1024xf32, #tpu.memory_space<hbm>>) dst(%dma_wait3A_173 : memref<128xf32, #tpu.memory_space<vmem>>)
    %dma_wait3A_178 = arith.constant 256 : i32
    %dma_wait3A_179 = tpu.memref_slice %arg16[%dma_wait3A_178] : memref<512xf32, #tpu.memory_space<vmem>> -> memref<128xf32, #tpu.memory_space<vmem>>
    %dma_wait3A_180 = arith.constant 256 : i32
    %dma_wait3A_181 = tpu.memref_slice %arg11[%dma_wait3A_180] : memref<512xi32, #tpu.memory_space<vmem>> -> memref<128xi32, #tpu.memory_space<vmem>>
    %dma_wait3A_182 = arith.constant 0 : i32
    %dma_wait3A_183 = tpu.memref_slice %arg6[%dma_wait3A_182] : memref<1024xf32, #tpu.memory_space<hbm>> -> memref<1024xf32, #tpu.memory_space<hbm>>
    tpu.wait_indirect_dma semaphore(%arg19 : memref<!tpu.dma_semaphore, #tpu.memory_space<semaphore_mem>>) src(%dma_wait3A_183 : memref<1024xf32, #tpu.memory_space<hbm>>) dst(%dma_wait3A_179 : memref<128xf32, #tpu.memory_space<vmem>>)
    %dma_wait3A_184 = arith.constant 384 : i32
    %dma_wait3A_185 = tpu.memref_slice %arg16[%dma_wait3A_184] : memref<512xf32, #tpu.memory_space<vmem>> -> memref<128xf32, #tpu.memory_space<vmem>>
    %dma_wait3A_186 = arith.constant 384 : i32
    %dma_wait3A_187 = tpu.memref_slice %arg11[%dma_wait3A_186] : memref<512xi32, #tpu.memory_space<vmem>> -> memref<128xi32, #tpu.memory_space<vmem>>
    %dma_wait3A_188 = arith.constant 0 : i32
    %dma_wait3A_189 = tpu.memref_slice %arg6[%dma_wait3A_188] : memref<1024xf32, #tpu.memory_space<hbm>> -> memref<1024xf32, #tpu.memory_space<hbm>>
    tpu.wait_indirect_dma semaphore(%arg19 : memref<!tpu.dma_semaphore, #tpu.memory_space<semaphore_mem>>) src(%dma_wait3A_189 : memref<1024xf32, #tpu.memory_space<hbm>>) dst(%dma_wait3A_185 : memref<128xf32, #tpu.memory_space<vmem>>)
    "tpu.region"() ({
      %run_scoped3A = tpu.sem_alloc : memref<!tpu.dma_semaphore, #tpu.memory_space<semaphore_mem>>
      %dma_start3A_190 = tpu.memref_slice %arg9[%mul3A_2] : memref<16384xf32, #tpu.memory_space<hbm>> -> memref<512xf32, #tpu.memory_space<hbm>>
      %dma_start3A_191 = tpu.memref_slice %arg9[%mul3A_2] : memref<16384xf32, #tpu.memory_space<hbm>> -> memref<512xf32, #tpu.memory_space<hbm>>
      tpu.enqueue_dma source(%arg16 : memref<512xf32, #tpu.memory_space<vmem>>) target(%dma_start3A_191 : memref<512xf32, #tpu.memory_space<hbm>>) target_semaphore(%run_scoped3A : memref<!tpu.dma_semaphore, #tpu.memory_space<semaphore_mem>>)
      %dma_wait3A_192 = tpu.memref_slice %arg9[%mul3A_2] : memref<16384xf32, #tpu.memory_space<hbm>> -> memref<512xf32, #tpu.memory_space<hbm>>
      %dma_wait3A_193 = tpu.memref_slice %arg9[%mul3A_2] : memref<16384xf32, #tpu.memory_space<hbm>> -> memref<512xf32, #tpu.memory_space<hbm>>
      tpu.wait_dma2 semaphore(%run_scoped3A : memref<!tpu.dma_semaphore, #tpu.memory_space<semaphore_mem>>) src(%arg16 : memref<512xf32, #tpu.memory_space<vmem>>) dst(%dma_wait3A_193 : memref<512xf32, #tpu.memory_space<hbm>>)
      tpu.yield
    }) : () -> ()
    return
  }
}

module attributes {stable_mosaic.version = 14 : i64} {
  func.func @_repack_body(%arg0: i32, %arg1: memref<64x1000xf32, #tpu.memory_space<vmem>>, %arg2: memref<500x128xf32, #tpu.memory_space<vmem>>) attributes {dimension_semantics = [#tpu.dimension_semantics<arbitrary>], iteration_bounds = array<i64: 1>, scalar_prefetch = 0 : i64, scratch_operands = 0 : i64, tpu.core_type = #tpu.core_type<tc>, window_params = [{transform_indices = @transform_0, window_bounds = array<i64: 64, 1000>}, {transform_indices = @transform_1, window_bounds = array<i64: 500, 128>}]} {
    %get3A = arith.constant 0 : index
    %get3A_0 = arith.constant 0 : index
    %get3A_1 = vector.load %arg1[%get3A, %get3A_0] : memref<64x1000xf32, #tpu.memory_space<vmem>>, vector<64x1000xf32>
    %transpose3A = tpu.transpose %get3A_1, [1, 0] : vector<64x1000xf32> -> vector<1000x64xf32>
    %slice3A = vector.extract_strided_slice %transpose3A {offsets = [0, 0], sizes = [500, 64], strides = [1, 1]} : vector<1000x64xf32> to vector<500x64xf32>
    %slice3A_2 = vector.extract_strided_slice %transpose3A {offsets = [500, 0], sizes = [500, 64], strides = [1, 1]} : vector<1000x64xf32> to vector<500x64xf32>
    %concatenate3A = tpu.concatenate %slice3A, %slice3A_2 in 1 : vector<500x64xf32>, vector<500x64xf32> -> vector<500x128xf32>
    %swap3A = arith.constant 0 : index
    %swap3A_3 = arith.constant 0 : index
    %swap3A_4 = vector.load %arg2[%swap3A, %swap3A_3] : memref<500x128xf32, #tpu.memory_space<vmem>>, vector<500x128xf32>
    tpu.vector_store %arg2[%swap3A, %swap3A_3], %concatenate3A {strides = array<i32>} : memref<500x128xf32, #tpu.memory_space<vmem>>, vector<500x128xf32>,
    return
  }
  func.func @transform_0(%arg0: i32) -> (i32, i32) {
    %c0_i32 = arith.constant 0 : i32
    %c0_i32_0 = arith.constant 0 : i32
    return %c0_i32, %arg0 : i32, i32
  }
  func.func @transform_1(%arg0: i32) -> (i32, i32) {
    %c0_i32 = arith.constant 0 : i32
    %c0_i32_0 = arith.constant 0 : i32
    return %arg0, %c0_i32 : i32, i32
  }
}

module attributes {stable_mosaic.version = 14 : i64} {
  func.func @_repack_body(%arg0: i32, %arg1: memref<64x512xf32, #tpu.memory_space<vmem>>, %arg2: memref<256x128xf32, #tpu.memory_space<vmem>>) attributes {dimension_semantics = [#tpu.dimension_semantics<arbitrary>], iteration_bounds = array<i64: 196>, scalar_prefetch = 0 : i64, scratch_operands = 0 : i64, tpu.core_type = #tpu.core_type<tc>, window_params = [{transform_indices = @transform_0, window_bounds = array<i64: 64, 512>}, {transform_indices = @transform_1, window_bounds = array<i64: 256, 128>}]} {
    %get3A = arith.constant 0 : index
    %get3A_0 = arith.constant 0 : index
    %get3A_1 = vector.load %arg1[%get3A, %get3A_0] : memref<64x512xf32, #tpu.memory_space<vmem>>, vector<64x512xf32>
    %transpose3A = tpu.transpose %get3A_1, [1, 0] : vector<64x512xf32> -> vector<512x64xf32>
    %slice3A = vector.extract_strided_slice %transpose3A {offsets = [0, 0], sizes = [256, 64], strides = [1, 1]} : vector<512x64xf32> to vector<256x64xf32>
    %slice3A_2 = vector.extract_strided_slice %transpose3A {offsets = [256, 0], sizes = [256, 64], strides = [1, 1]} : vector<512x64xf32> to vector<256x64xf32>
    %concatenate3A = tpu.concatenate %slice3A, %slice3A_2 in 1 : vector<256x64xf32>, vector<256x64xf32> -> vector<256x128xf32>
    %swap3A = arith.constant 0 : index
    %swap3A_3 = arith.constant 0 : index
    %swap3A_4 = vector.load %arg2[%swap3A, %swap3A_3] : memref<256x128xf32, #tpu.memory_space<vmem>>, vector<256x128xf32>
    tpu.vector_store %arg2[%swap3A, %swap3A_3], %concatenate3A {strides = array<i32>} : memref<256x128xf32, #tpu.memory_space<vmem>>, vector<256x128xf32>,
    return
  }
  func.func @transform_0(%arg0: i32) -> (i32, i32) {
    %c0_i32 = arith.constant 0 : i32
    %c0_i32_0 = arith.constant 0 : i32
    return %c0_i32, %arg0 : i32, i32
  }
  func.func @transform_1(%arg0: i32) -> (i32, i32) {
    %c0_i32 = arith.constant 0 : i32
    %c0_i32_0 = arith.constant 0 : i32
    return %arg0, %c0_i32 : i32, i32
  }
}

module attributes {stable_mosaic.version = 14 : i64} {
  func.func @_tc_body(%arg0: i32, %arg1: memref<2048x1xi32, #tpu.memory_space<vmem>>, %arg2: memref<2048x1xf32, #tpu.memory_space<vmem>>, %arg3: memref<2048x1xf32, #tpu.memory_space<vmem>>, %arg4: memref<2048x1xi32, #tpu.memory_space<vmem>>, %arg5: memref<2048x1xi32, #tpu.memory_space<vmem>>, %arg6: memref<8x64x64xf32, #tpu.memory_space<vmem>>, %arg7: memref<2048x128xf32, #tpu.memory_space<vmem>>, %arg8: memref<2048x128xf32, #tpu.memory_space<vmem>>, %arg9: memref<1x1xf32, #tpu.memory_space<vmem>>) attributes {dimension_semantics = [#tpu.dimension_semantics<arbitrary>], iteration_bounds = array<i64: 8>, scalar_prefetch = 0 : i64, scratch_operands = 0 : i64, tpu.core_type = #tpu.core_type<tc>, window_params = [{transform_indices = @transform_0, window_bounds = array<i64: 2048, 1>}, {transform_indices = @transform_1, window_bounds = array<i64: 2048, 1>}, {transform_indices = @transform_2, window_bounds = array<i64: 2048, 1>}, {transform_indices = @transform_3, window_bounds = array<i64: 2048, 1>}, {transform_indices = @transform_4, window_bounds = array<i64: 2048, 1>}, {pipeline_mode = #tpu.pipeline_mode<synchronous>, transform_indices = @transform_5, window_bounds = array<i64: 8, 64, 64>}, {transform_indices = @transform_6, window_bounds = array<i64: 2048, 128>}, {transform_indices = @transform_7, window_bounds = array<i64: 2048, 128>}, {pipeline_mode = #tpu.pipeline_mode<synchronous>, transform_indices = @transform_8, window_bounds = array<i64: 1, 1>}]} {
    %get3A = arith.constant 0 : index
    %get3A_0 = arith.constant 0 : index
    %get3A_1 = arith.constant 0 : index
    %get3A_2 = vector.load %arg6[%get3A, %get3A_0, %get3A_1] : memref<8x64x64xf32, #tpu.memory_space<vmem>>, vector<8x64x64xf32>
    %mul3A = arith.mulf %get3A_2, %get3A_2 : vector<8x64x64xf32>
    %reduce_sum3A = arith.constant dense<0.000000e+00> : vector<8x64xf32>
    %reduce_sum3A_3 = vector.multi_reduction <add>, %mul3A, %reduce_sum3A [1] : vector<8x64x64xf32> to vector<8x64xf32>
    %broadcast_in_dim3A = vector.shape_cast %reduce_sum3A_3 : vector<8x64xf32> to vector<8x1x64xf32>
    %sqrt3A = math.sqrt %broadcast_in_dim3A : vector<8x1x64xf32>
    %max3A = arith.constant 9.99999996E-13 : f32
    %max3A_4 = vector.broadcast %max3A : f32 to vector<8x1x64xf32>
    %max3A_5 = arith.maximumf %sqrt3A, %max3A_4 : vector<8x1x64xf32>
    %div3A = vector.broadcast %max3A_5 : vector<8x1x64xf32> to vector<8x64x64xf32>
    %div3A_6 = arith.divf %get3A_2, %div3A : vector<8x64x64xf32>
    %get3A_7 = arith.constant 0 : index
    %get3A_8 = arith.constant 0 : index
    %get3A_9 = vector.load %arg7[%get3A_7, %get3A_8] : memref<2048x128xf32, #tpu.memory_space<vmem>>, vector<2048x128xf32>
    %get3A_10 = arith.constant 0 : index
    %get3A_11 = arith.constant 0 : index
    %get3A_12 = vector.load %arg8[%get3A_10, %get3A_11] : memref<2048x128xf32, #tpu.memory_space<vmem>>, vector<2048x128xf32>
    %get3A_13 = arith.constant 0 : index
    %get3A_14 = arith.constant 0 : index
    %get3A_15 = vector.load %arg4[%get3A_13, %get3A_14] : memref<2048x1xi32, #tpu.memory_space<vmem>>, vector<2048x1xi32>
    %and3A = arith.constant 256 : i32
    %and3A_16 = vector.broadcast %and3A : i32 to vector<2048x1xi32>
    %and3A_17 = arith.andi %get3A_15, %and3A_16 : vector<2048x1xi32>
    %eq3A = arith.constant 256 : i32
    %eq3A_18 = vector.broadcast %eq3A : i32 to vector<2048x1xi32>
    %eq3A_19 = arith.cmpi eq, %and3A_17, %eq3A_18 : vector<2048x1xi32>
    %get3A_20 = arith.constant 0 : index
    %get3A_21 = arith.constant 0 : index
    %get3A_22 = vector.load %arg5[%get3A_20, %get3A_21] : memref<2048x1xi32, #tpu.memory_space<vmem>>, vector<2048x1xi32>
    %ge3A = arith.constant 500 : i32
    %ge3A_23 = vector.broadcast %ge3A : i32 to vector<2048x1xi32>
    %ge3A_24 = arith.cmpi sge, %get3A_22, %ge3A_23 : vector<2048x1xi32>
    %slice3A = vector.extract_strided_slice %get3A_9 {offsets = [0, 64], sizes = [2048, 64], strides = [1, 1]} : vector<2048x128xf32> to vector<2048x64xf32>
    %slice3A_25 = vector.extract_strided_slice %get3A_9 {offsets = [0, 0], sizes = [2048, 64], strides = [1, 1]} : vector<2048x128xf32> to vector<2048x64xf32>
    %broadcast_in_dim3A_26 = vector.shape_cast %eq3A_19 : vector<2048x1xi1> to vector<2048x1xi1>
    %broadcast_in_dim3A_27 = vector.broadcast %broadcast_in_dim3A_26 : vector<2048x1xi1> to vector<2048x64xi1>
    %select_n3A = arith.select %broadcast_in_dim3A_27, %slice3A, %slice3A_25 : vector<2048x64xi1>, vector<2048x64xf32>
    %slice3A_28 = vector.extract_strided_slice %get3A_12 {offsets = [0, 64], sizes = [2048, 64], strides = [1, 1]} : vector<2048x128xf32> to vector<2048x64xf32>
    %slice3A_29 = vector.extract_strided_slice %get3A_12 {offsets = [0, 0], sizes = [2048, 64], strides = [1, 1]} : vector<2048x128xf32> to vector<2048x64xf32>
    %broadcast_in_dim3A_30 = vector.shape_cast %ge3A_24 : vector<2048x1xi1> to vector<2048x1xi1>
    %broadcast_in_dim3A_31 = vector.broadcast %broadcast_in_dim3A_30 : vector<2048x1xi1> to vector<2048x64xi1>
    %select_n3A_32 = arith.select %broadcast_in_dim3A_31, %slice3A_28, %slice3A_29 : vector<2048x64xi1>, vector<2048x64xf32>
    %get3A_33 = arith.constant 0 : index
    %get3A_34 = arith.constant 0 : index
    %get3A_35 = vector.load %arg1[%get3A_33, %get3A_34] : memref<2048x1xi32, #tpu.memory_space<vmem>>, vector<2048x1xi32>
    %broadcast_in_dim3A_36 = arith.constant 0.000000e+00 : f32
    %broadcast_in_dim3A_37 = vector.broadcast %broadcast_in_dim3A_36 : f32 to vector<2048x64xf32>
    %eq3A_38 = arith.constant 0 : i32
    %eq3A_39 = vector.broadcast %eq3A_38 : i32 to vector<2048x1xi32>
    %eq3A_40 = arith.cmpi eq, %get3A_35, %eq3A_39 : vector<2048x1xi32>
    %convert_element_type3A = arith.extui %eq3A_40 : vector<2048x1xi1> to vector<2048x1xi32>
    %convert_element_type3A_41 = arith.sitofp %convert_element_type3A : vector<2048x1xi32> to vector<2048x1xf32>
    %mul3A_42 = vector.broadcast %convert_element_type3A_41 : vector<2048x1xf32> to vector<2048x64xf32>
    %mul3A_43 = arith.mulf %select_n3A, %mul3A_42 : vector<2048x64xf32>
    %slice3A_44 = vector.extract_strided_slice %div3A_6 {offsets = [0, 0, 0], sizes = [1, 64, 64], strides = [1, 1, 1]} : vector<8x64x64xf32> to vector<1x64x64xf32>
    %squeeze3A = vector.shape_cast %slice3A_44 : vector<1x64x64xf32> to vector<64x64xf32>
    %dot_general3A = arith.constant dense<0.000000e+00> : vector<2048x64xf32>
    %dot_general3A_45 = tpu.matmul %mul3A_43, %squeeze3A, %dot_general3A {dimension_numbers = #tpu.dot_dimension_numbers<[1], [0], [0], [1], [0, 0, 1, 1], [], []>, transpose_lhs_hint = false} : vector<2048x64xf32>, vector<64x64xf32>, vector<2048x64xf32> -> vector<2048x64xf32>
    %add3A = arith.addf %broadcast_in_dim3A_37, %dot_general3A_45 : vector<2048x64xf32>
    %eq3A_46 = arith.constant 1 : i32
    %eq3A_47 = vector.broadcast %eq3A_46 : i32 to vector<2048x1xi32>
    %eq3A_48 = arith.cmpi eq, %get3A_35, %eq3A_47 : vector<2048x1xi32>
    %convert_element_type3A_49 = arith.extui %eq3A_48 : vector<2048x1xi1> to vector<2048x1xi32>
    %convert_element_type3A_50 = arith.sitofp %convert_element_type3A_49 : vector<2048x1xi32> to vector<2048x1xf32>
    %mul3A_51 = vector.broadcast %convert_element_type3A_50 : vector<2048x1xf32> to vector<2048x64xf32>
    %mul3A_52 = arith.mulf %select_n3A, %mul3A_51 : vector<2048x64xf32>
    %slice3A_53 = vector.extract_strided_slice %div3A_6 {offsets = [1, 0, 0], sizes = [1, 64, 64], strides = [1, 1, 1]} : vector<8x64x64xf32> to vector<1x64x64xf32>
    %squeeze3A_54 = vector.shape_cast %slice3A_53 : vector<1x64x64xf32> to vector<64x64xf32>
    %dot_general3A_55 = arith.constant dense<0.000000e+00> : vector<2048x64xf32>
    %dot_general3A_56 = tpu.matmul %mul3A_52, %squeeze3A_54, %dot_general3A_55 {dimension_numbers = #tpu.dot_dimension_numbers<[1], [0], [0], [1], [0, 0, 1, 1], [], []>, transpose_lhs_hint = false} : vector<2048x64xf32>, vector<64x64xf32>, vector<2048x64xf32> -> vector<2048x64xf32>
    %add3A_57 = arith.addf %add3A, %dot_general3A_56 : vector<2048x64xf32>
    %eq3A_58 = arith.constant 2 : i32
    %eq3A_59 = vector.broadcast %eq3A_58 : i32 to vector<2048x1xi32>
    %eq3A_60 = arith.cmpi eq, %get3A_35, %eq3A_59 : vector<2048x1xi32>
    %convert_element_type3A_61 = arith.extui %eq3A_60 : vector<2048x1xi1> to vector<2048x1xi32>
    %convert_element_type3A_62 = arith.sitofp %convert_element_type3A_61 : vector<2048x1xi32> to vector<2048x1xf32>
    %mul3A_63 = vector.broadcast %convert_element_type3A_62 : vector<2048x1xf32> to vector<2048x64xf32>
    %mul3A_64 = arith.mulf %select_n3A, %mul3A_63 : vector<2048x64xf32>
    %slice3A_65 = vector.extract_strided_slice %div3A_6 {offsets = [2, 0, 0], sizes = [1, 64, 64], strides = [1, 1, 1]} : vector<8x64x64xf32> to vector<1x64x64xf32>
    %squeeze3A_66 = vector.shape_cast %slice3A_65 : vector<1x64x64xf32> to vector<64x64xf32>
    %dot_general3A_67 = arith.constant dense<0.000000e+00> : vector<2048x64xf32>
    %dot_general3A_68 = tpu.matmul %mul3A_64, %squeeze3A_66, %dot_general3A_67 {dimension_numbers = #tpu.dot_dimension_numbers<[1], [0], [0], [1], [0, 0, 1, 1], [], []>, transpose_lhs_hint = false} : vector<2048x64xf32>, vector<64x64xf32>, vector<2048x64xf32> -> vector<2048x64xf32>
    %add3A_69 = arith.addf %add3A_57, %dot_general3A_68 : vector<2048x64xf32>
    %eq3A_70 = arith.constant 3 : i32
    %eq3A_71 = vector.broadcast %eq3A_70 : i32 to vector<2048x1xi32>
    %eq3A_72 = arith.cmpi eq, %get3A_35, %eq3A_71 : vector<2048x1xi32>
    %convert_element_type3A_73 = arith.extui %eq3A_72 : vector<2048x1xi1> to vector<2048x1xi32>
    %convert_element_type3A_74 = arith.sitofp %convert_element_type3A_73 : vector<2048x1xi32> to vector<2048x1xf32>
    %mul3A_75 = vector.broadcast %convert_element_type3A_74 : vector<2048x1xf32> to vector<2048x64xf32>
    %mul3A_76 = arith.mulf %select_n3A, %mul3A_75 : vector<2048x64xf32>
    %slice3A_77 = vector.extract_strided_slice %div3A_6 {offsets = [3, 0, 0], sizes = [1, 64, 64], strides = [1, 1, 1]} : vector<8x64x64xf32> to vector<1x64x64xf32>
    %squeeze3A_78 = vector.shape_cast %slice3A_77 : vector<1x64x64xf32> to vector<64x64xf32>
    %dot_general3A_79 = arith.constant dense<0.000000e+00> : vector<2048x64xf32>
    %dot_general3A_80 = tpu.matmul %mul3A_76, %squeeze3A_78, %dot_general3A_79 {dimension_numbers = #tpu.dot_dimension_numbers<[1], [0], [0], [1], [0, 0, 1, 1], [], []>, transpose_lhs_hint = false} : vector<2048x64xf32>, vector<64x64xf32>, vector<2048x64xf32> -> vector<2048x64xf32>
    %add3A_81 = arith.addf %add3A_69, %dot_general3A_80 : vector<2048x64xf32>
    %eq3A_82 = arith.constant 4 : i32
    %eq3A_83 = vector.broadcast %eq3A_82 : i32 to vector<2048x1xi32>
    %eq3A_84 = arith.cmpi eq, %get3A_35, %eq3A_83 : vector<2048x1xi32>
    %convert_element_type3A_85 = arith.extui %eq3A_84 : vector<2048x1xi1> to vector<2048x1xi32>
    %convert_element_type3A_86 = arith.sitofp %convert_element_type3A_85 : vector<2048x1xi32> to vector<2048x1xf32>
    %mul3A_87 = vector.broadcast %convert_element_type3A_86 : vector<2048x1xf32> to vector<2048x64xf32>
    %mul3A_88 = arith.mulf %select_n3A, %mul3A_87 : vector<2048x64xf32>
    %slice3A_89 = vector.extract_strided_slice %div3A_6 {offsets = [4, 0, 0], sizes = [1, 64, 64], strides = [1, 1, 1]} : vector<8x64x64xf32> to vector<1x64x64xf32>
    %squeeze3A_90 = vector.shape_cast %slice3A_89 : vector<1x64x64xf32> to vector<64x64xf32>
    %dot_general3A_91 = arith.constant dense<0.000000e+00> : vector<2048x64xf32>
    %dot_general3A_92 = tpu.matmul %mul3A_88, %squeeze3A_90, %dot_general3A_91 {dimension_numbers = #tpu.dot_dimension_numbers<[1], [0], [0], [1], [0, 0, 1, 1], [], []>, transpose_lhs_hint = false} : vector<2048x64xf32>, vector<64x64xf32>, vector<2048x64xf32> -> vector<2048x64xf32>
    %add3A_93 = arith.addf %add3A_81, %dot_general3A_92 : vector<2048x64xf32>
    %eq3A_94 = arith.constant 5 : i32
    %eq3A_95 = vector.broadcast %eq3A_94 : i32 to vector<2048x1xi32>
    %eq3A_96 = arith.cmpi eq, %get3A_35, %eq3A_95 : vector<2048x1xi32>
    %convert_element_type3A_97 = arith.extui %eq3A_96 : vector<2048x1xi1> to vector<2048x1xi32>
    %convert_element_type3A_98 = arith.sitofp %convert_element_type3A_97 : vector<2048x1xi32> to vector<2048x1xf32>
    %mul3A_99 = vector.broadcast %convert_element_type3A_98 : vector<2048x1xf32> to vector<2048x64xf32>
    %mul3A_100 = arith.mulf %select_n3A, %mul3A_99 : vector<2048x64xf32>
    %slice3A_101 = vector.extract_strided_slice %div3A_6 {offsets = [5, 0, 0], sizes = [1, 64, 64], strides = [1, 1, 1]} : vector<8x64x64xf32> to vector<1x64x64xf32>
    %squeeze3A_102 = vector.shape_cast %slice3A_101 : vector<1x64x64xf32> to vector<64x64xf32>
    %dot_general3A_103 = arith.constant dense<0.000000e+00> : vector<2048x64xf32>
    %dot_general3A_104 = tpu.matmul %mul3A_100, %squeeze3A_102, %dot_general3A_103 {dimension_numbers = #tpu.dot_dimension_numbers<[1], [0], [0], [1], [0, 0, 1, 1], [], []>, transpose_lhs_hint = false} : vector<2048x64xf32>, vector<64x64xf32>, vector<2048x64xf32> -> vector<2048x64xf32>
    %add3A_105 = arith.addf %add3A_93, %dot_general3A_104 : vector<2048x64xf32>
    %eq3A_106 = arith.constant 6 : i32
    %eq3A_107 = vector.broadcast %eq3A_106 : i32 to vector<2048x1xi32>
    %eq3A_108 = arith.cmpi eq, %get3A_35, %eq3A_107 : vector<2048x1xi32>
    %convert_element_type3A_109 = arith.extui %eq3A_108 : vector<2048x1xi1> to vector<2048x1xi32>
    %convert_element_type3A_110 = arith.sitofp %convert_element_type3A_109 : vector<2048x1xi32> to vector<2048x1xf32>
    %mul3A_111 = vector.broadcast %convert_element_type3A_110 : vector<2048x1xf32> to vector<2048x64xf32>
    %mul3A_112 = arith.mulf %select_n3A, %mul3A_111 : vector<2048x64xf32>
    %slice3A_113 = vector.extract_strided_slice %div3A_6 {offsets = [6, 0, 0], sizes = [1, 64, 64], strides = [1, 1, 1]} : vector<8x64x64xf32> to vector<1x64x64xf32>
    %squeeze3A_114 = vector.shape_cast %slice3A_113 : vector<1x64x64xf32> to vector<64x64xf32>
    %dot_general3A_115 = arith.constant dense<0.000000e+00> : vector<2048x64xf32>
    %dot_general3A_116 = tpu.matmul %mul3A_112, %squeeze3A_114, %dot_general3A_115 {dimension_numbers = #tpu.dot_dimension_numbers<[1], [0], [0], [1], [0, 0, 1, 1], [], []>, transpose_lhs_hint = false} : vector<2048x64xf32>, vector<64x64xf32>, vector<2048x64xf32> -> vector<2048x64xf32>
    %add3A_117 = arith.addf %add3A_105, %dot_general3A_116 : vector<2048x64xf32>
    %eq3A_118 = arith.constant 7 : i32
    %eq3A_119 = vector.broadcast %eq3A_118 : i32 to vector<2048x1xi32>
    %eq3A_120 = arith.cmpi eq, %get3A_35, %eq3A_119 : vector<2048x1xi32>
    %convert_element_type3A_121 = arith.extui %eq3A_120 : vector<2048x1xi1> to vector<2048x1xi32>
    %convert_element_type3A_122 = arith.sitofp %convert_element_type3A_121 : vector<2048x1xi32> to vector<2048x1xf32>
    %mul3A_123 = vector.broadcast %convert_element_type3A_122 : vector<2048x1xf32> to vector<2048x64xf32>
    %mul3A_124 = arith.mulf %select_n3A, %mul3A_123 : vector<2048x64xf32>
    %slice3A_125 = vector.extract_strided_slice %div3A_6 {offsets = [7, 0, 0], sizes = [1, 64, 64], strides = [1, 1, 1]} : vector<8x64x64xf32> to vector<1x64x64xf32>
    %squeeze3A_126 = vector.shape_cast %slice3A_125 : vector<1x64x64xf32> to vector<64x64xf32>
    %dot_general3A_127 = arith.constant dense<0.000000e+00> : vector<2048x64xf32>
    %dot_general3A_128 = tpu.matmul %mul3A_124, %squeeze3A_126, %dot_general3A_127 {dimension_numbers = #tpu.dot_dimension_numbers<[1], [0], [0], [1], [0, 0, 1, 1], [], []>, transpose_lhs_hint = false} : vector<2048x64xf32>, vector<64x64xf32>, vector<2048x64xf32> -> vector<2048x64xf32>
    %add3A_129 = arith.addf %add3A_117, %dot_general3A_128 : vector<2048x64xf32>
    %mul3A_130 = arith.mulf %add3A_129, %select_n3A_32 : vector<2048x64xf32>
    %reduce_sum3A_131 = arith.constant dense<0.000000e+00> : vector<2048xf32>
    %reduce_sum3A_132 = vector.multi_reduction <add>, %mul3A_130, %reduce_sum3A_131 [1] : vector<2048x64xf32> to vector<2048xf32>
    %broadcast_in_dim3A_133 = vector.shape_cast %reduce_sum3A_132 : vector<2048xf32> to vector<2048x1xf32>
    %get3A_134 = arith.constant 0 : index
    %get3A_135 = arith.constant 0 : index
    %get3A_136 = vector.load %arg3[%get3A_134, %get3A_135] : memref<2048x1xf32, #tpu.memory_space<vmem>>, vector<2048x1xf32>
    %add3A_137 = arith.addf %broadcast_in_dim3A_133, %get3A_136 : vector<2048x1xf32>
    %get3A_138 = arith.constant 0 : index
    %get3A_139 = arith.constant 0 : index
    %get3A_140 = vector.load %arg2[%get3A_138, %get3A_139] : memref<2048x1xf32, #tpu.memory_space<vmem>>, vector<2048x1xf32>
    %max3A_141 = arith.constant 0.000000e+00 : f32
    %max3A_142 = vector.broadcast %max3A_141 : f32 to vector<2048x1xf32>
    %max3A_143 = arith.maximumf %add3A_137, %max3A_142 : vector<2048x1xf32>
    %mul3A_144 = arith.mulf %add3A_137, %get3A_140 : vector<2048x1xf32>
    %sub3A = arith.subf %max3A_143, %mul3A_144 : vector<2048x1xf32>
    %abs3A = math.absf %add3A_137 : vector<2048x1xf32>
    %neg3A = arith.constant 0.000000e+00 : f32
    %neg3A_145 = vector.broadcast %neg3A : f32 to vector<2048x1xf32>
    %neg3A_146 = arith.subf %neg3A_145, %abs3A : vector<2048x1xf32>
    %exp3A = math.exp %neg3A_146 : vector<2048x1xf32>
    %log1p3A = math.log1p %exp3A : vector<2048x1xf32>
    %add3A_147 = arith.addf %sub3A, %log1p3A : vector<2048x1xf32>
    %reduce_sum3A_148 = vector.shape_cast %add3A_147 : vector<2048x1xf32> to vector<1x2048x1xf32>
    %reduce_sum3A_149 = arith.constant dense<0.000000e+00> : vector<1xf32>
    %reduce_sum3A_150 = vector.multi_reduction <add>, %reduce_sum3A_148, %reduce_sum3A_149 [1, 2] : vector<1x2048x1xf32> to vector<1xf32>
    %reduce_sum3A_151 = vector.shape_cast %reduce_sum3A_150 : vector<1xf32> to vector<1x1x1xf32>
    %reduce_sum3A_152 = vector.extract %reduce_sum3A_151[0, 0, 0] : f32 from vector<1x1x1xf32>
    %eq3A_153 = arith.constant 0 : i32
    %eq3A_154 = arith.cmpi eq, %arg0, %eq3A_153 : i32
    %convert_element_type3A_155 = arith.extui %eq3A_154 : i1 to i32
    %cond3A = arith.constant 0 : i32
    %cond3A_156 = arith.cmpi ne, %convert_element_type3A_155, %cond3A : i32
    scf.if %cond3A_156 {
      %broadcast_in_dim3A_169 = arith.constant 0.000000e+00 : f32
      %broadcast_in_dim3A_170 = vector.broadcast %broadcast_in_dim3A_169 : f32 to vector<1x1xf32>
      %swap3A_171 = arith.constant 0 : index
      %swap3A_172 = arith.constant 0 : index
      %swap3A_173 = vector.load %arg9[%swap3A_171, %swap3A_172] : memref<1x1xf32, #tpu.memory_space<vmem>>, vector<1x1xf32>
      tpu.vector_store %arg9[%swap3A_171, %swap3A_172], %broadcast_in_dim3A_170 {strides = array<i32>} : memref<1x1xf32, #tpu.memory_space<vmem>>, vector<1x1xf32>,
    } else {
    }
    %get3A_157 = arith.constant 0 : index
    %get3A_158 = arith.constant 0 : index
    %get3A_159 = vector.load %arg9[%get3A_157, %get3A_158] : memref<1x1xf32, #tpu.memory_space<vmem>>, vector<1x1xf32>
    %broadcast_in_dim3A_160 = vector.broadcast %reduce_sum3A_152 : f32 to vector<1x1xf32>
    %add3A_161 = arith.addf %get3A_159, %broadcast_in_dim3A_160 : vector<1x1xf32>
    %swap3A = arith.constant 0 : index
    %swap3A_162 = arith.constant 0 : index
    %swap3A_163 = vector.load %arg9[%swap3A, %swap3A_162] : memref<1x1xf32, #tpu.memory_space<vmem>>, vector<1x1xf32>
    tpu.vector_store %arg9[%swap3A, %swap3A_162], %add3A_161 {strides = array<i32>} : memref<1x1xf32, #tpu.memory_space<vmem>>, vector<1x1xf32>,
    %eq3A_164 = arith.constant 7 : i32
    %eq3A_165 = arith.cmpi eq, %arg0, %eq3A_164 : i32
    %convert_element_type3A_166 = arith.extui %eq3A_165 : i1 to i32
    %cond3A_167 = arith.constant 0 : i32
    %cond3A_168 = arith.cmpi ne, %convert_element_type3A_166, %cond3A_167 : i32
    scf.if %cond3A_168 {
      %get3A_169 = arith.constant 0 : index
      %get3A_170 = arith.constant 0 : index
      %get3A_171 = vector.load %arg9[%get3A_169, %get3A_170] : memref<1x1xf32, #tpu.memory_space<vmem>>, vector<1x1xf32>
      %mul3A_172 = arith.constant 6.10351563E-5 : f32
      %mul3A_173 = vector.broadcast %mul3A_172 : f32 to vector<1x1xf32>
      %mul3A_174 = arith.mulf %get3A_171, %mul3A_173 : vector<1x1xf32>
      %swap3A_175 = arith.constant 0 : index
      %swap3A_176 = arith.constant 0 : index
      %swap3A_177 = vector.load %arg9[%swap3A_175, %swap3A_176] : memref<1x1xf32, #tpu.memory_space<vmem>>, vector<1x1xf32>
      tpu.vector_store %arg9[%swap3A_175, %swap3A_176], %mul3A_174 {strides = array<i32>} : memref<1x1xf32, #tpu.memory_space<vmem>>, vector<1x1xf32>,
    } else {
    }
    return
  }
  func.func @transform_0(%arg0: i32) -> (i32, i32) {
    %c0_i32 = arith.constant 0 : i32
    %c0_i32_0 = arith.constant 0 : i32
    return %arg0, %c0_i32 : i32, i32
  }
  func.func @transform_1(%arg0: i32) -> (i32, i32) {
    %c0_i32 = arith.constant 0 : i32
    %c0_i32_0 = arith.constant 0 : i32
    return %arg0, %c0_i32 : i32, i32
  }
  func.func @transform_2(%arg0: i32) -> (i32, i32) {
    %c0_i32 = arith.constant 0 : i32
    %c0_i32_0 = arith.constant 0 : i32
    return %arg0, %c0_i32 : i32, i32
  }
  func.func @transform_3(%arg0: i32) -> (i32, i32) {
    %c0_i32 = arith.constant 0 : i32
    %c0_i32_0 = arith.constant 0 : i32
    return %arg0, %c0_i32 : i32, i32
  }
  func.func @transform_4(%arg0: i32) -> (i32, i32) {
    %c0_i32 = arith.constant 0 : i32
    %c0_i32_0 = arith.constant 0 : i32
    return %arg0, %c0_i32 : i32, i32
  }
  func.func @transform_5(%arg0: i32) -> (i32, i32, i32) {
    %c0_i32 = arith.constant 0 : i32
    %c0_i32_0 = arith.constant 0 : i32
    %c0_i32_1 = arith.constant 0 : i32
    %c0_i32_2 = arith.constant 0 : i32
    return %c0_i32, %c0_i32_0, %c0_i32_1 : i32, i32, i32
  }
  func.func @transform_6(%arg0: i32) -> (i32, i32) {
    %c0_i32 = arith.constant 0 : i32
    %c0_i32_0 = arith.constant 0 : i32
    return %arg0, %c0_i32 : i32, i32
  }
  func.func @transform_7(%arg0: i32) -> (i32, i32) {
    %c0_i32 = arith.constant 0 : i32
    %c0_i32_0 = arith.constant 0 : i32
    return %arg0, %c0_i32 : i32, i32
  }
  func.func @transform_8(%arg0: i32) -> (i32, i32) {
    %c0_i32 = arith.constant 0 : i32
    %c0_i32_0 = arith.constant 0 : i32
    %c0_i32_1 = arith.constant 0 : i32
    return %c0_i32, %c0_i32_0 : i32, i32
  }
}

</mosaic_0001>

<sc_bundles>
// kernel: kernel.6.cloned.1.call-start
scs
__scs_entry_jumppad:
0x0: {  	(pc) =	sbr.rel $0x88, $3  }
0x1: {  	(tag) =	ssettag $0x0;
	lr =	simm.s32 $0x1  }
0x2: {  	[smem:$0x3F9A] =	sst lr;
	_ =	strace $0xD0000000  }
0x3: {  	_ = 	snop  }
0x4: {  	_ = 	snop  }
0x5: {  	_ = 	snop  }
0x6: {  	_ = 	snop  }
0x7: {  	_ = 	snop  }
__scs_overlays_trampoline_lowered:
0x8: {  	[smem:$0x3FA9] =	sst s0  }
0x9: {  	[smem:$0x3FAA] =	sst s1  }
0xa: {  	[smem:$0x3FAB] =	sst s2  }
0xb: {  	[smem:$0x3FAC] =	sst s3  }
0xc: {  	[smem:$0x3FAD] =	sst s4  }
0xd: {  	[smem:$0x3FAE] =	sst s5  }
0xe: {  	[smem:$0x3FAF] =	sst s6  }
0xf: {  	[smem:$0x3FB0] =	sst s7  }
0x10: {  	[smem:$0x3FB1] =	sst s8  }
0x11: {  	[smem:$0x3FB2] =	sst s9;
	s0 =	simm.s32 @!p0 $0x0  }
0x12: {  	s1 =	sld [smem:$0x3F98];
	s0 =	simm.s32 @p0 $0x1  }
0x13: {  	[smem:$0x3FB3] =	sst s0;
	s0 =	simm.s32 @!p1 $0x0  }
0x14: {  	s2 =	sld [smem:$0x3F97];
	s0 =	simm.s32 @p1 $0x1  }
0x15: {  	[smem:$0x3FB4] =	sst s0;
	s0 =	simm.s32 @!p2 $0x0  }
0x16: {  	s3 =	sld [smem:$0x3FDB];
	s0 =	simm.s32 @p2 $0x1  }
0x17: {  	s4 =	simm.s32 $0x1BF5;
	[smem:$0x3FB6] =	sst s0  }
0x18: {  	s0 =	sld [smem:$0x3F99];
	_ =	swait.ge [sflag:s4], $0x0  }
0x19: {  	s7 =	sld [smem:$0x3F9A]  }
0x1a: {  	s8 =	sadd.s32 $0xFFFFE003, lr  }
0x1b: {  	s9 =	sadd.s32 $0xFFFFFEF7, lr;
	s5 =	simm.s32 $0xFFFFFFFF;
	p2 =	slt.u32 s8, $0xFFFFF086  }
0x1c: {  	p1 =	slt.u32 s9, $0xF7A;
	s5 =	simm.s32 @!p2 $0x0  }
0x1d: {  	s5 =	simm.s32 @p1 $0x1;
	p0 =	seq.s32 s7, s2  }
0x1e: {  	s7 =	smul.u32 @!p0 $0xF7A, s2;
	p2 =	seq.s32 @!p0 s5, $0x0  }
0x1f: {  	s9 =	smul.u32 $0xF7A, s1;
	s8 =	simm.s32 @!p0 $0x1BF5;
	p2 =	por !p2, p0  }
0x20: {  	[sflag:s8] =	ssyncset.s32 @!p0 $0xFFFFF086;
	s6 =	sadd.s32 @!p0 s3, s7;
	s7 =	simm.s32 @!p0 $0x108  }
0x21: {  	s3 =	sadd.s32 s3, s9;
	s6 =	sadd.s32 @!p0 $0x88, s6;
	s7 =	simm.s32 @p2 $0x1082  }
0x22: {  	[simem:s7], [sflag:s8] =	dma.local @!p0 [hbm:s6], $0xF7A  }
0x23: {  	s9 =	sor.u32 $0xD0000000, s2;
	s6 =	simm.s32 $0x108;
	_ =	swait.ge @!p0 [sflag:s8], $0x0  }
0x24: {  	s3 =	sadd.s32 $0x88, s3;
	s6 =	simm.s32 @!p1 $0x1082;
	[sflag:s4] =	ssyncset.s32 $0xFFFFF086  }
0x25: {  	[simem:s6], [sflag:s4] =	dma.local [hbm:s3], $0xF7A  }
0x26: {  	[smem:$0x3F9A] =	sst s1;
	(tag) =	ssettag s2;
	_ =	strace s9  }
0x27: {  	s1 =	sld [smem:$0x3FAA]  }
0x28: {  	s2 =	sld [smem:$0x3FAB]  }
0x29: {  	s4 =	sld [smem:$0x3FAD]  }
0x2a: {  	p0 =	seq.s32 s5, $0x0;
	s5 =	sld [smem:$0x3FAE]  }
0x2b: {  	s6 =	sld [smem:$0x3FAF]  }
0x2c: {  	s7 =	sld [smem:$0x3FB0]  }
0x2d: {  	s3 =	simm.s32 $0x108;
	s8 =	sld [smem:$0x3FB1]  }
0x2e: {  	s3 =	simm.s32 @!p0 $0x1082;
	s9 =	sld [smem:$0x3FB2]  }
0x2f: {  	lr =	sadd.s32 s0, s3;
	s0 =	sld [smem:$0x3FA9]  }
0x30: {  	s3 =	sld [smem:$0x3FAC]  }
0x31: {  	[smem:$0x3FB5] =	sst s10  }
0x32: {  	s10 =	sld [smem:$0x3FB3];
	_ =	sdelay $0x3  }
0x33: {  	p0 =	seq.s32 s10, $0x1;
	s10 =	sld [smem:$0x3FB5];
	_ =	sdelay $0x3  }
0x34: {  	[smem:$0x3FB5] =	sst s10  }
0x35: {  	s10 =	sld [smem:$0x3FB4];
	_ =	sdelay $0x3  }
0x36: {  	p1 =	seq.s32 s10, $0x1;
	s10 =	sld [smem:$0x3FB5];
	_ =	sdelay $0x3  }
0x37: {  	[smem:$0x3FB5] =	sst s10  }
0x38: {  	s10 =	sld [smem:$0x3FB6]  }
0x39: {  	_ = 	snop;
	(pc) =	sbr.ind lr, $3  }
0x3a: {  	_ = 	snop  }
0x3b: {  	_ = 	snop  }
0x3c: {  	p2 =	seq.s32 s10, $0x1;
	s10 =	sld [smem:$0x3FB5]  }
0x3d: {  	_ =	shalt  }
0x3e: {  	_ =	shalt  }
0x3f: {  	_ =	shalt  }
0x40: {  	_ =	shalt  }
0x41: {  	_ =	shalt  }
0x42: {  	_ =	shalt  }
0x43: {  	_ =	shalt  }
0x44: {  	_ =	shalt  }
0x45: {  	_ =	shalt  }
0x46: {  	_ =	shalt  }
0x47: {  	_ =	shalt  }
0x48: {  	_ =	shalt  }
0x49: {  	_ =	shalt  }
0x4a: {  	_ =	shalt  }
0x4b: {  	_ =	shalt  }
0x4c: {  	_ =	shalt  }
0x4d: {  	_ =	shalt  }
0x4e: {  	_ =	shalt  }
0x4f: {  	_ =	shalt  }
0x50: {  	_ =	shalt  }
0x51: {  	_ =	shalt  }
0x52: {  	_ =	shalt  }
0x53: {  	_ =	shalt  }
0x54: {  	_ =	shalt  }
0x55: {  	_ =	shalt  }
0x56: {  	_ =	shalt  }
0x57: {  	_ =	shalt  }
0x58: {  	_ =	shalt  }
0x59: {  	_ =	shalt  }
0x5a: {  	_ =	shalt  }
0x5b: {  	_ =	shalt  }
0x5c: {  	_ =	shalt  }
0x5d: {  	_ =	shalt  }
0x5e: {  	_ =	shalt  }
0x5f: {  	_ =	shalt  }
0x60: {  	_ =	shalt  }
0x61: {  	_ =	shalt  }
0x62: {  	_ =	shalt  }
0x63: {  	_ =	shalt  }
0x64: {  	_ =	shalt  }
0x65: {  	_ =	shalt  }
0x66: {  	_ =	shalt  }
0x67: {  	_ =	shalt  }
0x68: {  	_ =	shalt  }
0x69: {  	_ =	shalt  }
0x6a: {  	_ =	shalt  }
0x6b: {  	_ =	shalt  }
0x6c: {  	_ =	shalt  }
0x6d: {  	_ =	shalt  }
0x6e: {  	_ =	shalt  }
0x6f: {  	_ =	shalt  }
0x70: {  	_ =	shalt  }
0x71: {  	_ =	shalt  }
0x72: {  	_ =	shalt  }
0x73: {  	_ =	shalt  }
0x74: {  	_ =	shalt  }
0x75: {  	_ =	shalt  }
0x76: {  	_ =	shalt  }
0x77: {  	_ =	shalt  }
0x78: {  	_ =	shalt  }
0x79: {  	_ =	shalt  }
0x7a: {  	_ =	shalt  }
0x7b: {  	_ =	shalt  }
0x7c: {  	_ =	shalt  }
0x7d: {  	_ =	shalt  }
0x7e: {  	_ =	shalt  }
0x7f: {  	_ =	shalt  }
0x80: {  	_ =	shalt  }
0x81: {  	_ =	shalt  }
0x82: {  	_ =	shalt  }
0x83: {  	_ =	shalt  }
0x84: {  	_ =	shalt  }
0x85: {  	_ =	shalt  }
0x86: {  	_ =	shalt  }
0x87: {  	_ =	shalt  }
.Lfunc_end0:
.L_simem_size_0:
called_computation_lowered:
.L_overlay_start_0:
0x88: {  	s2 =	sld [smem:$0x3FD9]  }
0x89: {  	s3 =	sld [smem:$0x3FFE];
	_ =	sdelay $0x1  }
0x8a: {  	s1 =	srdreg.scid  }
0x8b: {  	s0 =	sand.u32 $0x1, s1  }
0x8c: {  	s16 =	sshll.u32 s0, $0xA;
	s2 =	sadd.s32 s3, s2  }
0x8d: {  	s2 =	sadd.s32 s2, s16  }
0x8e: {  	[smem:$0x3FC1] =	sst s2  }
0x8f: {  	_ = 	snop  }
0x90: {  	(tm) =	ssettm $0x1  }
0x91: {  	s17 =	sld [smem:$0x3FFB];
	_ =	sdelay $0x3  }
0x92: {  	_ =	strace s17  }
0x93: {  	s2 =	sld [smem:$0x3FFC];
	_ =	sdelay $0x3  }
0x94: {  	_ =	strace s2  }
0x95: {  	s2 =	sld [smem:$0x3FFD];
	_ =	sdelay $0x3  }
0x96: {  	_ =	strace s2  }
0x97: {  	_ =	strace $0x8FFFFFFF  }
0x98: {  	s18 =	sld [smem:$0x3FDB];
	_ =	sdelay $0x1  }
0x99: {  	s19 =	simm.s32 $_scs_section_size  }
0x9a: {  	s4 =	simm.s32 $_size__tile_overlayer_lowered;
	s5 =	simm.s32 $_tile_overlayer_lowered  }
0x9b: {  	s22 =	simm.s32 $0x1BFF;
	s21 =	sshll.u32 s5, $0x1;
	s2 =	sadd.s32 s19, s18  }
0x9c: {  	s6 =	simm.s32 $0x0;
	s20 =	sshll.u32 s4, $0x1;
	s4 =	sadd.s32 s21, s2  }
0x9d: {  	[timem:s6], [sflag:s22] =	dma.local [hbm:s4], s20  }
0x9e: {  	_ =	swait.ge [sflag:s22], s20  }
0x9f: {  	s3 =	ssub.s32 $0x0, s20;
	[sflag:s22] =	ssyncset.done $0x0  }
0xa0: {  	[sflag:s22] =	ssyncadd.s32 s3;
	_ =	sdelay $0x1  }
0xa1: {  	s23 =	simm.s32 $0x1B8B  }
0xa2: {  	_ =	swait.ge [sflag:s23], $0x1  }
0xa3: {  	[sflag:s23] =	ssyncset.done $0x0  }
0xa4: {  	s25 =	simm.s32 $0x1B8E;
	s24 =	sld [smem:$0x3FFE];
	[sflag:s23] =	ssyncadd.s32 $0xFFFFFFFF  }
0xa5: {  	s26 =	simm.s32 $execute0_lowered;
	[smem:$0x3FD2] =	sst s25  }
0xa6: {  	s4 =	sshll.u32 s26, $0x1;
	_ =	strace $0x80000046;
	[dreg:$0x1] =	wrdreg $0xFFFFFFFF  }
0xa7: {  	s28 =	simm.s32 $_size_execute0_lowered;
	s2 =	sadd.s32 s2, s4;
	[dreg:$0x0] =	wrdreg $0x0  }
0xa8: {  	s4 =	sshll.u32 s28, $0x1;
	[dreg:$0x2] =	wrdreg s2  }
0xa9: {  	[dreg:$0x3] =	wrdreg s4  }
0xaa: {  	[dreg:$0x4] =	wrdreg $0xC0  }
0xab: {  	_ =	task [dreg:s6], $0x5FFFF  }
0xac: {  	[dreg:$0x1] =	wrdreg $0xFFFFFFFF  }
0xad: {  	[dreg:$0x0] =	wrdreg $0x60  }
0xae: {  	[dreg:$0x2] =	wrdreg s24  }
0xaf: {  	[dreg:$0x3] =	wrdreg $0x9  }
0xb0: {  	_ =	task.clear_ibuf [dreg:s6], $0x4FFFF;
	_ =	strace $0x90000046  }
0xb1: {  	s29 =	simm.s32 $0x9;
	_ =	strace $0x80000048  }
0xb2: {  	_ =	swait.ge [sflag:s29], $0x1  }
0xb3: {  	[sflag:s29] =	ssyncadd.s32 $0xFFFFFFFF  }
0xb4: {  	_ =	strace $0x90000048  }
0xb5: {  	_ =	sfence  }
0xb6: {  	s30 =	sld [smem:$0x0];
	_ =	sdelay $0x2  }
0xb7: {  	s31 =	sshll.u32 s1, $0xD;
	s1 =	sshrl.u32 s1, $0x2  }
0xb8: {  	s3 =	sand.u32 $0x4000, s31;
	s1 =	sadd.s32 s1, s30  }
0xb9: {  	s0 =	sor.u32 s3, s0;
	s1 =	sshll.u32 s1, $0x11  }
0xba: {  	s0 =	sor.u32 s1, s0  }
0xbb: {  	s0 =	sadd.s32 $0x8F2B, s0  }
0xbc: {  	[sflag:s0] =	ssyncadd.remote.s32 $0x1  }
0xbd: {  	_ =	sfence.sel $0xFFFF  }
0xbe: {  	[dreg:$0x0] =	wrdreg $0xFFFFFFFF;
	(pc) =	sbr.abs _section_cstart, $3  }
0xbf: {  	[dreg:$0x1] =	wrdreg $0xFFFFFFFF  }
0xc0: {  	_ =	task.clear_ibuf [dreg:s6], $0x2FFFF;
	_ =	strace $0x9FFFFFFF  }
0xc1: {  	(tm) =	ssettm $0x7FFFFFFF  }
tec
execute0_lowered:
.L_overlay_start_1:
0x0: {  	(tag) =	ssettag $0x1  }
0x1: {  	s0 =	rddreg [dreg:$0x0]  }
0x2: {  	s1 =	simm.s32 $0x0;
	s2 =	srdreg.scid;
	s5 =	stileid.u32  }
0x3: {  	s14 =	simm.s32 $0x4;
	s15 =	simm.s32 $0x200;
	s16 =	simm.s32 $0x80  }
0x4: {  	s17 =	simm.s32 $0x10800;
	s25 =	simm.s32 $0x800;
	s28 =	simm.s32 $0x8800  }
0x5: {  	s30 =	simm.s32 $0x4800;
	s18 =	simm.s32 $0x2;
	s19 =	simm.s32 $0x500  }
0x6: {  	s20 =	simm.s32 $0x700;
	s21 =	simm.s32 $0x580;
	s22 =	simm.s32 $0x780  }
0x7: {  	s23 =	simm.s32 $0x3;
	s24 =	simm.s32 $0x0;
	[smem:$0x7FF] =	sst s1  }
0x8: {  	s3 =	sadd.s32 $0x2A00, s0;
	s2 =	sand.u32 $0x1, s2;
	s4 =	sadd.s32 $0xC6A00, s0  }
0x9: {  	s6 =	sshll.u32 s5, $0xA;
	s5 =	sadd.s32 $0xC8A00, s0;
	s10 =	sadd.s32 $0xC9400, s0  }
0xa: {  	s11 =	sadd.s32 $0x109400, s0;
	s7 =	sshll.u32 s2, $0x9;
	s2 =	ssub.s32 $0x2, s2  }
0xb: {  	_ =	strace $0x80000047;
	s8 =	sor.u32 s7, s6;
	s31 =	sshrl.u32 s2, $0x1  }
0xc: {  	s6 =	sshrl.u32 s8, $0x3;
	s2 =	ssub.s32 s2, s31;
	s12 =	sshll.u32 s8, $0x4  }
0xd: {  	s0 =	sadd.s32 s6, s0;
	s8 =	sadd.s32 s10, s12;
	s9 =	sadd.s32 s11, s12  }
0xe: {  	s12 =	sor.u32 $0x1000, s12;
	s13 =	smax.u32 s2, $0x1;
	s2 =	simm.s32 $0x1  }
0xf: {  	s6 =	sadd.s32 $0x2200, s0;
	s7 =	sadd.s32 $0x1A00, s0;
	s10 =	sadd.s32 s10, s12  }
0x10: {  	s11 =	sadd.s32 s11, s12;
	s12 =	sadd.s32 $0xC8C00, s0;
	s0 =	simm.s32 $0xC800  }
.LBB2_1:
0x11: {  	[tilespmem:s1], [sflag:$0x4] =	stream.linear.gather [hbm4b:s6+s1], $0x200, $0x38;
	[tilespmem:$0x10A00] =	vst v63  }
0x12: {  	_ =	swait.ge [sflag:s14], $0x200  }
0x13: {  	[sflag:s14] =	ssyncset.done $0x0  }
0x14: {  	[sflag:s14] =	ssyncadd.s32 $0xFFFFFE00  }
0x15: {  	[tilespmem:s15], [sflag:$0x4] =	stream.linear.gather [hbm4b:s7+s1], $0x200, $0x38;
	[tilespmem:$0x10A00] =	vst v63  }
0x16: {  	_ =	swait.ge [sflag:s14], $0x200  }
0x17: {  	[sflag:s14] =	ssyncset.done $0x0  }
0x18: {  	s26 =	simm.s32 $0x0;
	[sflag:s14] =	ssyncadd.s32 $0xFFFFFE00  }
0x19: {  	v1 =	vld [tilespmem:s26+$0x0]  }
0x1a: {  	v0 =	vld [tilespmem:s26+$0x200];
	_ =	sdelay $0x1  }
0x1b: {  	s29 =	simm.s32 $0x40  }
.LBB2_2:
0x1c: {  	p0 =	sne.s32 s29, $0x7C0  }
.Ltmp0:
0x1d: {  	s31 =	sshra.s32 s29, $0x2;
	s29 =	sadd.s32 $0x40, s29;
	v2 =	vshrl.u32 v1, $0x1;
	(pc) =	sbr.rel @p0 .LBB2_2-.Ltmp0, $4  }
0x1e: {  	v3 =	vand.u32 $0xFF, v1;
	v2 =	vand.u32 $0x7FFFFF00, v2;
	v1 =	vld [tilespmem:s31+$0x0];
	vm0 =	vgt.s32 v0, $0x1F3;
	v4 =	vmovc v0  }
0x1f: {  	v0 =	vld [tilespmem:s31+$0x200];
	v2 =	vor.u32 v3, v2;
	v3 =	vadd.s32 $0xFFFFFE0C, v4  }
0x20: {  	[tilespmem:s26+$0x400] =	vst v2;
	v2 =	vsel vm0, v3, v4  }
0x21: {  	[tilespmem:s26+$0x600] =	vst v2;
	s26 =	smov.u32 s31  }
0x22: {  	_ = 	snop  }
0x23: {  	v2 =	vshrl.u32 v1, $0x1  }
0x24: {  	v62 =	vand.u32 $0xFF, v1;
	v2 =	vand.u32 $0x7FFFFF00, v2  }
0x25: {  	vm0 =	vgt.s32 v0, $0x1F3;
	v63 =	vadd.s32 $0xFFFFFE0C, v0;
	v1 =	vor.u32 v62, v2  }
0x26: {  	v0 =	vsel vm0, v63, v0;
	[tilespmem:s26+$0x400] =	vst v1  }
0x27: {  	[tilespmem:s26+$0x600] =	vst v0  }
0x28: {  	[tilespmem:s17], [sflag:$0x3] =	stream.indirect.gather [hbm4b:s5+s16], $0x1, s15, s16, $0xb8;
	[tilespmem:$0x10A00] =	vst v63  }
0x29: {  	s31 =	simm.s32 $0x280;
	s29 =	simm.s32 $0x10880  }
0x2a: {  	[tilespmem:s29], [sflag:$0x3] =	stream.indirect.gather [hbm4b:s5+s16], $0x1, s31, s16, $0xb8;
	[tilespmem:$0x10A00] =	vst v63  }
0x2b: {  	s26 =	simm.s32 $0x300;
	s31 =	simm.s32 $0x10900  }
0x2c: {  	[tilespmem:s31], [sflag:$0x3] =	stream.indirect.gather [hbm4b:s5+s16], $0x1, s26, s16, $0xb8;
	[tilespmem:$0x10A00] =	vst v63  }
0x2d: {  	s26 =	simm.s32 $0x380;
	s31 =	simm.s32 $0x10980  }
0x2e: {  	[tilespmem:s31], [sflag:$0x3] =	stream.indirect.gather [hbm4b:s5+s16], $0x1, s26, s16, $0xb8;
	[tilespmem:$0x10A00] =	vst v63  }
0x2f: {  	s29 =	simm.s32 $0x400  }
0x30: {  	[tilespmem:s25], [sflag:$0x1] =	stream.indirect.gather [hbm4b:s3+s16], $0x80, s29, s16, $0xb8;
	[tilespmem:$0x10A00] =	vst v63  }
0x31: {  	s31 =	simm.s32 $0x600  }
0x32: {  	[tilespmem:s28], [sflag:$0x2] =	stream.indirect.gather [hbm4b:s4+s16], $0x80, s31, s16, $0xb8;
	[tilespmem:$0x10A00] =	vst v63  }
0x33: {  	s29 =	simm.s32 $0x480  }
0x34: {  	[tilespmem:s30], [sflag:$0x1] =	stream.indirect.gather [hbm4b:s3+s16], $0x80, s29, s16, $0xb8;
	[tilespmem:$0x10A00] =	vst v63  }
0x35: {  	s31 =	simm.s32 $0x680  }
0x36: {  	[tilespmem:s0], [sflag:$0x2] =	stream.indirect.gather [hbm4b:s4+s16], $0x80, s31, s16, $0xb8;
	[tilespmem:$0x10A00] =	vst v63  }
0x37: {  	_ =	swait.ge [sflag:s2], $0x4000  }
0x38: {  	[sflag:s2] =	ssyncset.done $0x0  }
0x39: {  	[sflag:s2] =	ssyncadd.s32 $0xFFFFC000  }
0x3a: {  	_ =	swait.ge [sflag:s18], $0x4000  }
0x3b: {  	[sflag:s18] =	ssyncset.done $0x0  }
0x3c: {  	[sflag:s18] =	ssyncadd.s32 $0xFFFFC000  }
0x3d: {  	_ =	swait.ge [sflag:s2], $0x4000  }
0x3e: {  	[sflag:s2] =	ssyncset.done $0x0  }
0x3f: {  	[sflag:s2] =	ssyncadd.s32 $0xFFFFC000  }
0x40: {  	_ =	swait.ge [sflag:s18], $0x4000  }
0x41: {  	[sflag:s18] =	ssyncset.done $0x0  }
0x42: {  	[sflag:s18] =	ssyncadd.s32 $0xFFFFC000  }
0x43: {  	[hbm4b:s8+s1] =	stream.linear.scatter [tilespmem:s25], [sflag:$0x4], $0x8000, $0x38;
	[tilespmem:$0x10A00] =	vst v63  }
0x44: {  	_ =	swait.ge [sflag:s14], $0x8000  }
0x45: {  	[sflag:s14] =	ssyncset.done $0x0  }
0x46: {  	[sflag:s14] =	ssyncadd.s32 $0xFFFF8000  }
0x47: {  	[hbm4b:s9+s1] =	stream.linear.scatter [tilespmem:s28], [sflag:$0x4], $0x8000, $0x38;
	[tilespmem:$0x10A00] =	vst v63  }
0x48: {  	_ =	swait.ge [sflag:s14], $0x8000  }
0x49: {  	[sflag:s14] =	ssyncset.done $0x0  }
0x4a: {  	[sflag:s14] =	ssyncadd.s32 $0xFFFF8000  }
0x4b: {  	[tilespmem:s25], [sflag:$0x1] =	stream.indirect.gather [hbm4b:s3+s16], $0x80, s19, s16, $0xb8;
	[tilespmem:$0x10A00] =	vst v63  }
0x4c: {  	_ = 	snop  }
0x4d: {  	[tilespmem:s28], [sflag:$0x2] =	stream.indirect.gather [hbm4b:s4+s16], $0x80, s20, s16, $0xb8;
	[tilespmem:$0x10A00] =	vst v63  }
0x4e: {  	_ = 	snop  }
0x4f: {  	[tilespmem:s30], [sflag:$0x1] =	stream.indirect.gather [hbm4b:s3+s16], $0x80, s21, s16, $0xb8;
	[tilespmem:$0x10A00] =	vst v63  }
0x50: {  	_ = 	snop  }
0x51: {  	[tilespmem:s0], [sflag:$0x2] =	stream.indirect.gather [hbm4b:s4+s16], $0x80, s22, s16, $0xb8;
	[tilespmem:$0x10A00] =	vst v63  }
0x52: {  	_ =	swait.ge [sflag:s2], $0x4000  }
0x53: {  	[sflag:s2] =	ssyncset.done $0x0  }
0x54: {  	[sflag:s2] =	ssyncadd.s32 $0xFFFFC000  }
0x55: {  	_ =	swait.ge [sflag:s18], $0x4000  }
0x56: {  	[sflag:s18] =	ssyncset.done $0x0  }
0x57: {  	[sflag:s18] =	ssyncadd.s32 $0xFFFFC000  }
0x58: {  	_ =	swait.ge [sflag:s2], $0x4000  }
0x59: {  	[sflag:s2] =	ssyncset.done $0x0  }
0x5a: {  	[sflag:s2] =	ssyncadd.s32 $0xFFFFC000  }
0x5b: {  	_ =	swait.ge [sflag:s18], $0x4000  }
0x5c: {  	[sflag:s18] =	ssyncset.done $0x0  }
0x5d: {  	[sflag:s18] =	ssyncadd.s32 $0xFFFFC000  }
0x5e: {  	[hbm4b:s10+s1] =	stream.linear.scatter [tilespmem:s25], [sflag:$0x4], $0x8000, $0x38;
	[tilespmem:$0x10A00] =	vst v63  }
0x5f: {  	_ =	swait.ge [sflag:s14], $0x8000  }
0x60: {  	[sflag:s14] =	ssyncset.done $0x0  }
0x61: {  	[sflag:s14] =	ssyncadd.s32 $0xFFFF8000  }
0x62: {  	[hbm4b:s11+s1] =	stream.linear.scatter [tilespmem:s28], [sflag:$0x4], $0x8000, $0x38;
	[tilespmem:$0x10A00] =	vst v63  }
0x63: {  	_ =	swait.ge [sflag:s14], $0x8000  }
0x64: {  	[sflag:s14] =	ssyncset.done $0x0  }
0x65: {  	[sflag:s14] =	ssyncadd.s32 $0xFFFF8000  }
0x66: {  	_ =	swait.ge [sflag:s23], $0x80  }
0x67: {  	[sflag:s23] =	ssyncset.done $0x0  }
0x68: {  	[sflag:s23] =	ssyncadd.s32 $0xFFFFFF80  }
0x69: {  	_ =	swait.ge [sflag:s23], $0x80  }
0x6a: {  	[sflag:s23] =	ssyncset.done $0x0  }
0x6b: {  	[sflag:s23] =	ssyncadd.s32 $0xFFFFFF80  }
0x6c: {  	_ =	swait.ge [sflag:s23], $0x80  }
0x6d: {  	[sflag:s23] =	ssyncset.done $0x0  }
0x6e: {  	[sflag:s23] =	ssyncadd.s32 $0xFFFFFF80  }
0x6f: {  	s24 =	sadd.s32 $0x1, s24;
	_ =	swait.ge [sflag:s23], $0x80  }
0x70: {  	p0 =	sne.s32 s24, s13;
	[sflag:s23] =	ssyncset.done $0x0  }
.Ltmp1:
0x71: {  	[sflag:s23] =	ssyncadd.s32 $0xFFFFFF80;
	(pc) =	sbr.rel @p0 .LBB2_1-.Ltmp1, $4  }
0x72: {  	[hbm4b:s12+s1] =	stream.linear.scatter [tilespmem:s17], [sflag:$0x4], $0x200, $0x38;
	[tilespmem:$0x10A00] =	vst v63  }
0x73: {  	_ =	swait.ge [sflag:s14], $0x200  }
0x74: {  	[sflag:s14] =	ssyncset.done $0x0  }
0x75: {  	[sflag:s14] =	ssyncadd.s32 $0xFFFFFE00  }
0x76: {  	_ =	sfence.sel $0x180000  }
0x77: {  	[bflag:$0x0] =	sbarrier.arrive $0xFFFF  }
0x78: {  	_ =	strace $0x90000047  }
0x79: {  	s0 =	stileid.u32;
	[bflag:$0x2] =	sbarrier.arrive $0xFFFF  }
0x7a: {  	p0 =	sne.s32 s0, $0x0;
	s0 =	rddreg [dreg:$0x1]  }
0x7b: {  	s0 =	sadd.s32 @!p0 $0x100000, s0  }
0x7c: {  	[sflag:s0] =	ssyncadd.tile.s32 @!p0 $0x1;
	_ =	shalt  }
.Lfunc_end2:
_tile_overlayer_lowered:
.L_overlay_start_2:
0x7d: {  	(tag) =	ssettag $0x2  }
0x7e: {  	s0 =	rddreg [dreg:$0x0];
	s2 =	stileid.u32  }
0x7f: {  	s1 =	rddreg [dreg:$0x1];
	p0 =	sne.s32 s2, $0x0  }
0x80: {  	s3 =	rddreg [dreg:$0x2];
	[bflag:$0x3] =	sbarrier.arrive $0xFFFF;
	s2 =	simm.s32 @!p0 $0x1C04  }
0x81: {  	[timem:s3], [sflag:s2] =	dma.local @!p0 [hbm:s0], s1  }
0x82: {  	s0 =	simm.s32 @!p0 $0x4  }
0x83: {  	_ =	swait.ge @!p0 [sflag:s0], s1  }
0x84: {  	s1 =	ssub.s32 @!p0 $0x0, s1;
	[sflag:s0] =	ssyncset.done @!p0 $0x0  }
0x85: {  	[sflag:s0] =	ssyncadd.s32 @!p0 s1  }
0x86: {  	[bflag:$0x3] =	sbarrier.arrive $0xFFFF  }
0x87: {  	_ =	shalt  }

</sc_bundles>
